<compile_context>
chip_gen: v7x
topology: tpu7x:2x2x1
jax: 0.10.2.dev20260603
libtpu: 0.0.44.dev20260713+nightly
codegen_flags: <defaults>
</compile_context>

<pallas_src>
import dataclasses
import functools

import jax
import jax.numpy as jnp
from jax import lax
from jax.experimental import pallas as pl
from jax.experimental.pallas import tpu as pltpu
from jax.experimental.pallas import tpu_sc as plsc

N = 10000
E = 320000
D = 128

NC = 2
NS = 16
L = 16

EDGES_PER_TILE = E // (NC * NS)
C = 80
NCHUNK = EDGES_PER_TILE // C
FLUSH_A = 632
FLUSH_B = N - FLUSH_A * (NS - 1)
DEN_PAD = 10240

ROW_BLK = 400

_SC_PARAMS = pltpu.CompilerParams()
if "needs_layout_passes" in pltpu.CompilerParams.__dataclass_fields__:
    _SC_PARAMS = dataclasses.replace(_SC_PARAMS, needs_layout_passes=False)


def _dense_body(x_ref, w_ref, al_ref, ar_ref, h_ref, el_ref, er_ref):
    h = jnp.dot(x_ref[...], w_ref[...], preferred_element_type=jnp.float32)
    h_ref[...] = h
    el_ref[...] = jnp.dot(h, al_ref[...], preferred_element_type=jnp.float32)
    er_ref[...] = jnp.dot(h, ar_ref[...], preferred_element_type=jnp.float32)


def _dense(features, fc_weight, al, ar):
    return pl.pallas_call(
        _dense_body,
        grid=(N // ROW_BLK,),
        in_specs=[
            pl.BlockSpec((ROW_BLK, D), lambda i: (i, 0)),
            pl.BlockSpec((D, D), lambda i: (0, 0)),
            pl.BlockSpec((D, 1), lambda i: (0, 0)),
            pl.BlockSpec((D, 1), lambda i: (0, 0)),
        ],
        out_specs=[
            pl.BlockSpec((ROW_BLK, D), lambda i: (i, 0)),
            pl.BlockSpec((ROW_BLK, 1), lambda i: (i, 0)),
            pl.BlockSpec((ROW_BLK, 1), lambda i: (i, 0)),
        ],
        out_shape=[
            jax.ShapeDtypeStruct((N, D), jnp.float32),
            jax.ShapeDtypeStruct((N, 1), jnp.float32),
            jax.ShapeDtypeStruct((N, 1), jnp.float32),
        ],
    )(features, fc_weight, al, ar)


@functools.partial(
    pl.kernel,
    out_type=(
        jax.ShapeDtypeStruct((NC, N, D), jnp.float32),
        jax.ShapeDtypeStruct((NC, DEN_PAD), jnp.float32),
    ),
    mesh=plsc.VectorSubcoreMesh(core_axis_name="c", subcore_axis_name="s"),
    compiler_params=_SC_PARAMS,
    scratch_types=[
        pltpu.VMEM((N,), jnp.float32),
        pltpu.VMEM((N,), jnp.float32),
        pltpu.VMEM((C,), jnp.int32),
        pltpu.VMEM((C,), jnp.int32),
        pltpu.VMEM((C,), jnp.int32),
        pltpu.VMEM((C,), jnp.int32),
        pltpu.VMEM((C, D), jnp.float32),
        pltpu.VMEM((C, D), jnp.float32),
        pltpu.VMEM((C,), jnp.float32),
        pltpu.VMEM((C,), jnp.float32),
        pltpu.VMEM((C,), jnp.int32),
        pltpu.VMEM((C,), jnp.int32),
        pltpu.VMEM((640,), jnp.float32),
        pltpu.VMEM_SHARED((N, D), jnp.float32),
        pltpu.VMEM_SHARED((DEN_PAD,), jnp.float32),
        pltpu.SemaphoreType.DMA,
        pltpu.SemaphoreType.DMA,
        pltpu.SemaphoreType.DMA,
        pltpu.SemaphoreType.DMA,
        pltpu.SemaphoreType.DMA,
        pltpu.SemaphoreType.DMA,
        pltpu.SemaphoreType.DMA,
    ],
)
def _sc_edges(h_hbm, el_hbm, er_hbm, ei_hbm, acc_hbm, den_hbm,
              el_v, er_v, si0, si1, di0, di1, rows0, rows1, w0, w1, db0, db1,
              z_v, acc_sh, den_sh,
              sem_pre, semi0, semi1, semg0, semg1, sems0, sems1):
    c = lax.axis_index("c")
    s = lax.axis_index("s")
    wid = c * NS + s
    tbase = pl.multiple_of(wid * EDGES_PER_TILE, 8)

    si = (si0, si1)
    di = (di0, di1)
    rows = (rows0, rows1)
    wb = (w0, w1)
    db = (db0, db1)
    semi = (semi0, semi1)
    semg = (semg0, semg1)
    sems = (sems0, sems1)

    pltpu.async_copy(el_hbm, el_v, sem_pre)
    pltpu.async_copy(er_hbm, er_v, sem_pre)

    def issue_idx(g, b):
        ebase = pl.multiple_of(tbase + g * C, 8)
        pltpu.async_copy(ei_hbm.at[pl.ds(ebase, C)], si[b], semi[b])
        pltpu.async_copy(ei_hbm.at[pl.ds(E + ebase, C)], di[b], semi[b])

    def wait_idx(b):
        pltpu.make_async_copy(ei_hbm.at[pl.ds(0, C)], si[b], semi[b]).wait()
        pltpu.make_async_copy(ei_hbm.at[pl.ds(0, C)], di[b], semi[b]).wait()

    def issue_gather(b):
        pltpu.async_copy(h_hbm.at[si[b]], rows[b], semg[b])

    def wait_gather(b):
        pltpu.make_async_copy(h_hbm.at[si[b]], rows[b], semg[b]).wait()

    def issue_scatter(b):
        pltpu.async_copy(rows[b], acc_sh.at[db[b]], sems[b], add=True)
        pltpu.async_copy(wb[b], den_sh.at[db[b]], sems[b], add=True)

    def wait_scatter(b):
        pltpu.make_async_copy(rows[b], acc_sh.at[db[b]], sems[b]).wait()
        pltpu.make_async_copy(wb[b], den_sh.at[db[b]], sems[b]).wait()

    def compute(b):
        for vi in range(C // L):
            sv = si[b][pl.ds(vi * L, L)]
            dv = di[b][pl.ds(vi * L, L)]
            e = plsc.load_gather(el_v, [sv]) + plsc.load_gather(er_v, [dv])
            e = jnp.where(e > 0.0, e, 0.2 * e)
            wb[b][pl.ds(vi * L, L)] = jnp.exp(e)
            db[b][pl.ds(vi * L, L)] = dv

        @pl.loop(0, C)
        def _(i):
            iv = jnp.full((L,), i, dtype=jnp.int32)
            wv = plsc.load_gather(wb[b], [iv])
            for j in range(D // L):
                rows[b][i, pl.ds(j * L, L)] = rows[b][i, pl.ds(j * L, L)] * wv

    issue_idx(0, 0)
    issue_idx(1, 1)

    zeros = jnp.zeros((L,), jnp.float32)

    @pl.loop(0, 640, step=L)
    def _(i):
        z_v[pl.ds(i, L)] = zeros

    @pl.loop(0, C)
    def _(i):
        for j in range(D // L):
            rows0[i, pl.ds(j * L, L)] = zeros

    rbase = pl.multiple_of(s * FLUSH_A, 8)

    def _zero_acc(base, nrows):
        for k in range(nrows // C):
            pltpu.sync_copy(rows0, acc_sh.at[pl.ds(base + k * C, C)])
        rem = nrows % C
        if rem:
            pltpu.sync_copy(rows0.at[pl.ds(0, rem)],
                            acc_sh.at[pl.ds(base + nrows - rem, rem)])

    @pl.when(s != NS - 1)
    def _():
        _zero_acc(rbase, FLUSH_A)

    @pl.when(s == NS - 1)
    def _():
        _zero_acc((NS - 1) * FLUSH_A, FLUSH_B)

    dbase = pl.multiple_of(s * 640, 8)
    pltpu.sync_copy(z_v, den_sh.at[pl.ds(dbase, 640)])

    pltpu.make_async_copy(el_hbm, el_v, sem_pre).wait()
    pltpu.make_async_copy(er_hbm, er_v, sem_pre).wait()

    wait_idx(0)
    issue_gather(0)
    plsc.subcore_barrier()

    @pl.loop(0, (NCHUNK - 1) // 2)
    def _(p):
        for b in range(2):
            g = 2 * p + b
            wait_gather(b)

            @pl.when(p + b > 0)
            def _():
                wait_scatter(1 - b)

            wait_idx(1 - b)
            issue_gather(1 - b)
            compute(b)

            @pl.when(g + 2 < NCHUNK)
            def _():
                issue_idx(g + 2, b)

            issue_scatter(b)

    wait_gather(0)
    compute(0)
    wait_scatter(1)
    issue_scatter(0)
    wait_scatter(0)

    plsc.subcore_barrier()

    @pl.when(s != NS - 1)
    def _():
        pltpu.sync_copy(acc_sh.at[pl.ds(rbase, FLUSH_A)],
                        acc_hbm.at[c, pl.ds(rbase, FLUSH_A)])

    @pl.when(s == NS - 1)
    def _():
        pltpu.sync_copy(acc_sh.at[pl.ds((NS - 1) * FLUSH_A, FLUSH_B)],
                        acc_hbm.at[c, pl.ds((NS - 1) * FLUSH_A, FLUSH_B)])

    pltpu.sync_copy(den_sh.at[pl.ds(dbase, 640)],
                    den_hbm.at[c, pl.ds(dbase, 640)])


def _final_body(acc_ref, den_ref, out_ref):
    a = acc_ref[0] + acc_ref[1]
    dsum = den_ref[0] + den_ref[1]
    out_ref[...] = jnp.where(dsum == 0.0, 0.0,
                             a / jnp.where(dsum == 0.0, 1.0, dsum))


def _finalize(acc, den):
    return pl.pallas_call(
        _final_body,
        grid=(N // ROW_BLK,),
        in_specs=[
            pl.BlockSpec((NC, ROW_BLK, D), lambda i: (0, i, 0)),
            pl.BlockSpec((NC, ROW_BLK, 1), lambda i: (0, i, 0)),
        ],
        out_specs=pl.BlockSpec((ROW_BLK, D), lambda i: (i, 0)),
        out_shape=jax.ShapeDtypeStruct((N, D), jnp.float32),
    )(acc, den)


def kernel(features, edge_index, fc_weight, attn_l, attn_r):
    h, el, er = _dense(features, fc_weight, attn_l.T, attn_r.T)
    acc, den = _sc_edges(h, el.reshape(N), er.reshape(N),
                         edge_index.reshape(2 * E))
    return _finalize(acc, den.reshape(NC, DEN_PAD, 1))

# --- scband reference (transcript-rebuilt; emitter-appended) ---
"""Pipeline reference for scband-gatconv-dgl-33285996544498 (READ-ONLY COPY).

The authoritative reference and input builder live on the scoring server;
editing this copy changes nothing except your own understanding.
"""

import jax, jax.numpy as jnp
import numpy as np

N = 10000
E = 320000
D_IN = 128
D_OUT = 128


def setup_inputs(seed: int = 0) -> dict:
    key = jax.random.key(seed)
    k1, k2, k3, k4, k5 = jax.random.split(key, 5)
    features = jax.random.normal(k1, (N, D_IN), dtype=jnp.float32)
    edge_index = jax.random.randint(k2, (2, E), 0, N, dtype=jnp.int32)
    gain = float(np.sqrt(2.0))  # calculate_gain('relu')
    std_w = gain * float(np.sqrt(2.0 / (D_IN + D_OUT)))
    std_a = gain * float(np.sqrt(2.0 / (1 + D_OUT)))
    fc_weight = jax.random.normal(k3, (D_IN, D_OUT), dtype=jnp.float32) * std_w
    attn_l = jax.random.normal(k4, (1, D_OUT), dtype=jnp.float32) * std_a
    attn_r = jax.random.normal(k5, (1, D_OUT), dtype=jnp.float32) * std_a
    return {"features": features, "edge_index": edge_index, "fc_weight": fc_weight, "attn_l": attn_l, "attn_r": attn_r}


def reference(features, edge_index, fc_weight, attn_l, attn_r):
    # feat_drop with p=0.0 is identity
    h = features @ fc_weight                      # [N, D_OUT]
    el = (h * attn_l).sum(-1)                     # [N]
    er = (h * attn_r).sum(-1)                     # [N]
    src = edge_index[0]
    dst = edge_index[1]
    # u_add_v: e_ij = el[src] + er[dst]
    e = el[src] + er[dst]                         # [E]
    e = jnp.where(e > 0, e, 0.2 * e)              # LeakyReLU(0.2)
    # edge_softmax over incoming edges of each dst node
    emax = jax.ops.segment_max(e, dst, num_segments=N)
    ex = jnp.exp(e - emax[dst])
    denom = jax.ops.segment_sum(ex, dst, num_segments=N)
    a = ex / denom[dst]                           # attn_drop p=0.0 -> identity
    # u_mul_e + sum aggregation
    m = h[src] * a[:, None]                       # [E, D_OUT]
    out = jax.ops.segment_sum(m, dst, num_segments=N)
    return out

if __name__ == "__main__":
    import jax
    _d = setup_inputs()
    print(jax.jit(kernel)(*tuple(_d.values())))

</pallas_src>

<mosaic_0001>
#map = affine_map<(d0, d1) -> (0, 0)>
#map1 = affine_map<(d0, d1) -> (0)>
#map2 = affine_map<(d0, d1) -> (0, 0, 0)>
module attributes {stable_mosaic.version = 14 : i64} {
  func.func @_sc_edges(%arg0: i32, %arg1: i32, %arg2: memref<10000x128xf32, #tpu.memory_space<hbm>>, %arg3: memref<10000xf32, #tpu.memory_space<hbm>>, %arg4: memref<10000xf32, #tpu.memory_space<hbm>>, %arg5: memref<640000xi32, #tpu.memory_space<hbm>>, %arg6: memref<2x10000x128xf32, #tpu.memory_space<hbm>>, %arg7: memref<2x10240xf32, #tpu.memory_space<hbm>>, %arg8: memref<10000xf32, #tpu.memory_space<vmem>>, %arg9: memref<10000xf32, #tpu.memory_space<vmem>>, %arg10: memref<80xi32, #tpu.memory_space<vmem>>, %arg11: memref<80xi32, #tpu.memory_space<vmem>>, %arg12: memref<80xi32, #tpu.memory_space<vmem>>, %arg13: memref<80xi32, #tpu.memory_space<vmem>>, %arg14: memref<80x128xf32, #tpu.memory_space<vmem>>, %arg15: memref<80x128xf32, #tpu.memory_space<vmem>>, %arg16: memref<80xf32, #tpu.memory_space<vmem>>, %arg17: memref<80xf32, #tpu.memory_space<vmem>>, %arg18: memref<80xi32, #tpu.memory_space<vmem>>, %arg19: memref<80xi32, #tpu.memory_space<vmem>>, %arg20: memref<640xf32, #tpu.memory_space<vmem>>, %arg21: memref<10000x128xf32, #tpu.memory_space<vmem_shared>>, %arg22: memref<10240xf32, #tpu.memory_space<vmem_shared>>, %arg23: memref<!tpu.dma_semaphore, #tpu.memory_space<semaphore_mem>>, %arg24: memref<!tpu.dma_semaphore, #tpu.memory_space<semaphore_mem>>, %arg25: memref<!tpu.dma_semaphore, #tpu.memory_space<semaphore_mem>>, %arg26: memref<!tpu.dma_semaphore, #tpu.memory_space<semaphore_mem>>, %arg27: memref<!tpu.dma_semaphore, #tpu.memory_space<semaphore_mem>>, %arg28: memref<!tpu.dma_semaphore, #tpu.memory_space<semaphore_mem>>, %arg29: memref<!tpu.dma_semaphore, #tpu.memory_space<semaphore_mem>>) attributes {dimension_semantics = [#tpu.dimension_semantics<core_parallel>, #tpu.dimension_semantics<subcore_parallel>], iteration_bounds = array<i64: 2, 16>, scalar_prefetch = 0 : i64, scratch_operands = 22 : i64, tpu.core_type = #tpu.core_type<sc_vector_subcore>, window_params = [{transform_indices = #map}, {transform_indices = #map1}, {transform_indices = #map1}, {transform_indices = #map1}, {transform_indices = #map2}, {transform_indices = #map}]} {
    %mul3A = arith.constant 16 : i32
    %mul3A_0 = arith.muli %arg0, %mul3A : i32
    %add3A = arith.addi %mul3A_0, %arg1 : i32
    %mul3A_1 = arith.constant 10000 : i32
    %mul3A_2 = arith.muli %add3A, %mul3A_1 : i32
    %multiple_of3A = tpu.assume_multiple %mul3A_2, 8 : i32
    tpu.enqueue_dma source(%arg3 : memref<10000xf32, #tpu.memory_space<hbm>>) target(%arg8 : memref<10000xf32, #tpu.memory_space<vmem>>) target_semaphore(%arg23 : memref<!tpu.dma_semaphore, #tpu.memory_space<semaphore_mem>>)
    tpu.enqueue_dma source(%arg4 : memref<10000xf32, #tpu.memory_space<hbm>>) target(%arg9 : memref<10000xf32, #tpu.memory_space<vmem>>) target_semaphore(%arg23 : memref<!tpu.dma_semaphore, #tpu.memory_space<semaphore_mem>>)
    %add3A_3 = arith.constant 0 : i32
    %add3A_4 = arith.addi %multiple_of3A, %add3A_3 : i32
    %multiple_of3A_5 = tpu.assume_multiple %add3A_4, 8 : i32
    %dma_start3A = tpu.memref_slice %arg5[%multiple_of3A_5] : memref<640000xi32, #tpu.memory_space<hbm>> -> memref<80xi32, #tpu.memory_space<hbm>>
    %dma_start3A_6 = tpu.memref_slice %arg5[%multiple_of3A_5] : memref<640000xi32, #tpu.memory_space<hbm>> -> memref<80xi32, #tpu.memory_space<hbm>>
    tpu.enqueue_dma source(%dma_start3A_6 : memref<80xi32, #tpu.memory_space<hbm>>) target(%arg10 : memref<80xi32, #tpu.memory_space<vmem>>) target_semaphore(%arg24 : memref<!tpu.dma_semaphore, #tpu.memory_space<semaphore_mem>>)
    %add3A_7 = arith.constant 320000 : i32
    %add3A_8 = arith.addi %add3A_7, %multiple_of3A_5 : i32
    %dma_start3A_9 = tpu.memref_slice %arg5[%add3A_8] : memref<640000xi32, #tpu.memory_space<hbm>> -> memref<80xi32, #tpu.memory_space<hbm>>
    %dma_start3A_10 = tpu.memref_slice %arg5[%add3A_8] : memref<640000xi32, #tpu.memory_space<hbm>> -> memref<80xi32, #tpu.memory_space<hbm>>
    tpu.enqueue_dma source(%dma_start3A_10 : memref<80xi32, #tpu.memory_space<hbm>>) target(%arg12 : memref<80xi32, #tpu.memory_space<vmem>>) target_semaphore(%arg24 : memref<!tpu.dma_semaphore, #tpu.memory_space<semaphore_mem>>)
    %add3A_11 = arith.constant 80 : i32
    %add3A_12 = arith.addi %multiple_of3A, %add3A_11 : i32
    %multiple_of3A_13 = tpu.assume_multiple %add3A_12, 8 : i32
    %dma_start3A_14 = tpu.memref_slice %arg5[%multiple_of3A_13] : memref<640000xi32, #tpu.memory_space<hbm>> -> memref<80xi32, #tpu.memory_space<hbm>>
    %dma_start3A_15 = tpu.memref_slice %arg5[%multiple_of3A_13] : memref<640000xi32, #tpu.memory_space<hbm>> -> memref<80xi32, #tpu.memory_space<hbm>>
    tpu.enqueue_dma source(%dma_start3A_15 : memref<80xi32, #tpu.memory_space<hbm>>) target(%arg11 : memref<80xi32, #tpu.memory_space<vmem>>) target_semaphore(%arg25 : memref<!tpu.dma_semaphore, #tpu.memory_space<semaphore_mem>>)
    %add3A_16 = arith.constant 320000 : i32
    %add3A_17 = arith.addi %add3A_16, %multiple_of3A_13 : i32
    %dma_start3A_18 = tpu.memref_slice %arg5[%add3A_17] : memref<640000xi32, #tpu.memory_space<hbm>> -> memref<80xi32, #tpu.memory_space<hbm>>
    %dma_start3A_19 = tpu.memref_slice %arg5[%add3A_17] : memref<640000xi32, #tpu.memory_space<hbm>> -> memref<80xi32, #tpu.memory_space<hbm>>
    tpu.enqueue_dma source(%dma_start3A_19 : memref<80xi32, #tpu.memory_space<hbm>>) target(%arg13 : memref<80xi32, #tpu.memory_space<vmem>>) target_semaphore(%arg25 : memref<!tpu.dma_semaphore, #tpu.memory_space<semaphore_mem>>)
    %broadcast_in_dim3A = arith.constant 0.000000e+00 : f32
    %broadcast_in_dim3A_20 = vector.broadcast %broadcast_in_dim3A : f32 to vector<16xf32>
    %scan3A = arith.constant 0 : i32
    %scan3A_21 = arith.constant 40 : i32
    %scan3A_22 = arith.addi %scan3A, %scan3A_21 : i32
    %scan3A_23 = arith.constant 1 : i32
    scf.for %scan3A_180 = %scan3A to %scan3A_22 step %scan3A_23  : i32 {
      %mul3A_181 = arith.constant 16 : i32
      %mul3A_182 = arith.muli %scan3A_180, %mul3A_181 : i32
      %add3A_183 = arith.constant 0 : i32
      %add3A_184 = arith.addi %add3A_183, %mul3A_182 : i32
      %swap3A_185 = arith.index_cast %add3A_184 : i32 to index
      %swap3A_186 = tpu.vector_load %arg20[%swap3A_185] {strides = array<i32>} : memref<640xf32, #tpu.memory_space<vmem>>, vector<16xf32>,
      tpu.vector_store %arg20[%swap3A_185], %broadcast_in_dim3A_20 {strides = array<i32>} : memref<640xf32, #tpu.memory_space<vmem>>, vector<16xf32>,
    }
    %scan3A_24 = arith.constant 40 : i32
    %scan3A_25 = arith.constant 0 : i32
    %scan3A_26 = arith.constant 80 : i32
    %scan3A_27 = arith.addi %scan3A_25, %scan3A_26 : i32
    %scan3A_28 = arith.constant 1 : i32
    scf.for %scan3A_180 = %scan3A_25 to %scan3A_27 step %scan3A_28  : i32 {
      %mul3A_181 = arith.constant 1 : i32
      %mul3A_182 = arith.muli %scan3A_180, %mul3A_181 : i32
      %add3A_183 = arith.constant 0 : i32
      %add3A_184 = arith.addi %add3A_183, %mul3A_182 : i32
      %swap3A_185 = arith.index_cast %add3A_184 : i32 to index
      %swap3A_186 = arith.constant 0 : index
      %swap3A_187 = tpu.vector_load %arg14[%swap3A_185, %swap3A_186] {strides = array<i32>} : memref<80x128xf32, #tpu.memory_space<vmem>>, vector<16xf32>,
      tpu.vector_store %arg14[%swap3A_185, %swap3A_186], %broadcast_in_dim3A_20 {strides = array<i32>} : memref<80x128xf32, #tpu.memory_space<vmem>>, vector<16xf32>,
      %swap3A_188 = arith.index_cast %add3A_184 : i32 to index
      %swap3A_189 = arith.constant 16 : index
      %swap3A_190 = tpu.vector_load %arg14[%swap3A_188, %swap3A_189] {strides = array<i32>} : memref<80x128xf32, #tpu.memory_space<vmem>>, vector<16xf32>,
      tpu.vector_store %arg14[%swap3A_188, %swap3A_189], %broadcast_in_dim3A_20 {strides = array<i32>} : memref<80x128xf32, #tpu.memory_space<vmem>>, vector<16xf32>,
      %swap3A_191 = arith.index_cast %add3A_184 : i32 to index
      %swap3A_192 = arith.constant 32 : index
      %swap3A_193 = tpu.vector_load %arg14[%swap3A_191, %swap3A_192] {strides = array<i32>} : memref<80x128xf32, #tpu.memory_space<vmem>>, vector<16xf32>,
      tpu.vector_store %arg14[%swap3A_191, %swap3A_192], %broadcast_in_dim3A_20 {strides = array<i32>} : memref<80x128xf32, #tpu.memory_space<vmem>>, vector<16xf32>,
      %swap3A_194 = arith.index_cast %add3A_184 : i32 to index
      %swap3A_195 = arith.constant 48 : index
      %swap3A_196 = tpu.vector_load %arg14[%swap3A_194, %swap3A_195] {strides = array<i32>} : memref<80x128xf32, #tpu.memory_space<vmem>>, vector<16xf32>,
      tpu.vector_store %arg14[%swap3A_194, %swap3A_195], %broadcast_in_dim3A_20 {strides = array<i32>} : memref<80x128xf32, #tpu.memory_space<vmem>>, vector<16xf32>,
      %swap3A_197 = arith.index_cast %add3A_184 : i32 to index
      %swap3A_198 = arith.constant 64 : index
      %swap3A_199 = tpu.vector_load %arg14[%swap3A_197, %swap3A_198] {strides = array<i32>} : memref<80x128xf32, #tpu.memory_space<vmem>>, vector<16xf32>,
      tpu.vector_store %arg14[%swap3A_197, %swap3A_198], %broadcast_in_dim3A_20 {strides = array<i32>} : memref<80x128xf32, #tpu.memory_space<vmem>>, vector<16xf32>,
      %swap3A_200 = arith.index_cast %add3A_184 : i32 to index
      %swap3A_201 = arith.constant 80 : index
      %swap3A_202 = tpu.vector_load %arg14[%swap3A_200, %swap3A_201] {strides = array<i32>} : memref<80x128xf32, #tpu.memory_space<vmem>>, vector<16xf32>,
      tpu.vector_store %arg14[%swap3A_200, %swap3A_201], %broadcast_in_dim3A_20 {strides = array<i32>} : memref<80x128xf32, #tpu.memory_space<vmem>>, vector<16xf32>,
      %swap3A_203 = arith.index_cast %add3A_184 : i32 to index
      %swap3A_204 = arith.constant 96 : index
      %swap3A_205 = tpu.vector_load %arg14[%swap3A_203, %swap3A_204] {strides = array<i32>} : memref<80x128xf32, #tpu.memory_space<vmem>>, vector<16xf32>,
      tpu.vector_store %arg14[%swap3A_203, %swap3A_204], %broadcast_in_dim3A_20 {strides = array<i32>} : memref<80x128xf32, #tpu.memory_space<vmem>>, vector<16xf32>,
      %swap3A_206 = arith.index_cast %add3A_184 : i32 to index
      %swap3A_207 = arith.constant 112 : index
      %swap3A_208 = tpu.vector_load %arg14[%swap3A_206, %swap3A_207] {strides = array<i32>} : memref<80x128xf32, #tpu.memory_space<vmem>>, vector<16xf32>,
      tpu.vector_store %arg14[%swap3A_206, %swap3A_207], %broadcast_in_dim3A_20 {strides = array<i32>} : memref<80x128xf32, #tpu.memory_space<vmem>>, vector<16xf32>,
    }
    %scan3A_29 = arith.constant 80 : i32
    %mul3A_30 = arith.constant 632 : i32
    %mul3A_31 = arith.muli %arg1, %mul3A_30 : i32
    %multiple_of3A_32 = tpu.assume_multiple %mul3A_31, 8 : i32
    %ne3A = arith.constant 15 : i32
    %ne3A_33 = arith.cmpi ne, %arg1, %ne3A : i32
    %convert_element_type3A = arith.extui %ne3A_33 : i1 to i32
    %cond3A = arith.constant 0 : i32
    %cond3A_34 = arith.cmpi ne, %convert_element_type3A, %cond3A : i32
    scf.if %cond3A_34 {
      %add3A_180 = arith.constant 0 : i32
      %add3A_181 = arith.addi %multiple_of3A_32, %add3A_180 : i32
      "tpu.region"() ({
        %run_scoped3A = tpu.sem_alloc : memref<!tpu.dma_semaphore, #tpu.memory_space<semaphore_mem>>
        %dma_start3A_197 = arith.constant 0 : i32
        %dma_start3A_198 = tpu.memref_slice %arg21[%add3A_181, %dma_start3A_197] : memref<10000x128xf32, #tpu.memory_space<vmem_shared>> -> memref<80x128xf32, #tpu.memory_space<vmem_shared>>
        %dma_start3A_199 = arith.constant 0 : i32
        %dma_start3A_200 = tpu.memref_slice %arg21[%add3A_181, %dma_start3A_199] : memref<10000x128xf32, #tpu.memory_space<vmem_shared>> -> memref<80x128xf32, #tpu.memory_space<vmem_shared>>
        tpu.enqueue_dma source(%arg14 : memref<80x128xf32, #tpu.memory_space<vmem>>) target(%dma_start3A_200 : memref<80x128xf32, #tpu.memory_space<vmem_shared>>) target_semaphore(%run_scoped3A : memref<!tpu.dma_semaphore, #tpu.memory_space<semaphore_mem>>)
        %dma_wait3A_201 = arith.constant 0 : i32
        %dma_wait3A_202 = tpu.memref_slice %arg21[%add3A_181, %dma_wait3A_201] : memref<10000x128xf32, #tpu.memory_space<vmem_shared>> -> memref<80x128xf32, #tpu.memory_space<vmem_shared>>
        %dma_wait3A_203 = arith.constant 0 : i32
        %dma_wait3A_204 = tpu.memref_slice %arg21[%add3A_181, %dma_wait3A_203] : memref<10000x128xf32, #tpu.memory_space<vmem_shared>> -> memref<80x128xf32, #tpu.memory_space<vmem_shared>>
        tpu.wait_dma2 semaphore(%run_scoped3A : memref<!tpu.dma_semaphore, #tpu.memory_space<semaphore_mem>>) src(%arg14 : memref<80x128xf32, #tpu.memory_space<vmem>>) dst(%dma_wait3A_204 : memref<80x128xf32, #tpu.memory_space<vmem_shared>>)
        tpu.yield
      }) : () -> ()
      %add3A_182 = arith.constant 80 : i32
      %add3A_183 = arith.addi %multiple_of3A_32, %add3A_182 : i32
      "tpu.region"() ({
        %run_scoped3A = tpu.sem_alloc : memref<!tpu.dma_semaphore, #tpu.memory_space<semaphore_mem>>
        %dma_start3A_197 = arith.constant 0 : i32
        %dma_start3A_198 = tpu.memref_slice %arg21[%add3A_183, %dma_start3A_197] : memref<10000x128xf32, #tpu.memory_space<vmem_shared>> -> memref<80x128xf32, #tpu.memory_space<vmem_shared>>
        %dma_start3A_199 = arith.constant 0 : i32
        %dma_start3A_200 = tpu.memref_slice %arg21[%add3A_183, %dma_start3A_199] : memref<10000x128xf32, #tpu.memory_space<vmem_shared>> -> memref<80x128xf32, #tpu.memory_space<vmem_shared>>
        tpu.enqueue_dma source(%arg14 : memref<80x128xf32, #tpu.memory_space<vmem>>) target(%dma_start3A_200 : memref<80x128xf32, #tpu.memory_space<vmem_shared>>) target_semaphore(%run_scoped3A : memref<!tpu.dma_semaphore, #tpu.memory_space<semaphore_mem>>)
        %dma_wait3A_201 = arith.constant 0 : i32
        %dma_wait3A_202 = tpu.memref_slice %arg21[%add3A_183, %dma_wait3A_201] : memref<10000x128xf32, #tpu.memory_space<vmem_shared>> -> memref<80x128xf32, #tpu.memory_space<vmem_shared>>
        %dma_wait3A_203 = arith.constant 0 : i32
        %dma_wait3A_204 = tpu.memref_slice %arg21[%add3A_183, %dma_wait3A_203] : memref<10000x128xf32, #tpu.memory_space<vmem_shared>> -> memref<80x128xf32, #tpu.memory_space<vmem_shared>>
        tpu.wait_dma2 semaphore(%run_scoped3A : memref<!tpu.dma_semaphore, #tpu.memory_space<semaphore_mem>>) src(%arg14 : memref<80x128xf32, #tpu.memory_space<vmem>>) dst(%dma_wait3A_204 : memref<80x128xf32, #tpu.memory_space<vmem_shared>>)
        tpu.yield
      }) : () -> ()
      %add3A_184 = arith.constant 160 : i32
      %add3A_185 = arith.addi %multiple_of3A_32, %add3A_184 : i32
      "tpu.region"() ({
        %run_scoped3A = tpu.sem_alloc : memref<!tpu.dma_semaphore, #tpu.memory_space<semaphore_mem>>
        %dma_start3A_197 = arith.constant 0 : i32
        %dma_start3A_198 = tpu.memref_slice %arg21[%add3A_185, %dma_start3A_197] : memref<10000x128xf32, #tpu.memory_space<vmem_shared>> -> memref<80x128xf32, #tpu.memory_space<vmem_shared>>
        %dma_start3A_199 = arith.constant 0 : i32
        %dma_start3A_200 = tpu.memref_slice %arg21[%add3A_185, %dma_start3A_199] : memref<10000x128xf32, #tpu.memory_space<vmem_shared>> -> memref<80x128xf32, #tpu.memory_space<vmem_shared>>
        tpu.enqueue_dma source(%arg14 : memref<80x128xf32, #tpu.memory_space<vmem>>) target(%dma_start3A_200 : memref<80x128xf32, #tpu.memory_space<vmem_shared>>) target_semaphore(%run_scoped3A : memref<!tpu.dma_semaphore, #tpu.memory_space<semaphore_mem>>)
        %dma_wait3A_201 = arith.constant 0 : i32
        %dma_wait3A_202 = tpu.memref_slice %arg21[%add3A_185, %dma_wait3A_201] : memref<10000x128xf32, #tpu.memory_space<vmem_shared>> -> memref<80x128xf32, #tpu.memory_space<vmem_shared>>
        %dma_wait3A_203 = arith.constant 0 : i32
        %dma_wait3A_204 = tpu.memref_slice %arg21[%add3A_185, %dma_wait3A_203] : memref<10000x128xf32, #tpu.memory_space<vmem_shared>> -> memref<80x128xf32, #tpu.memory_space<vmem_shared>>
        tpu.wait_dma2 semaphore(%run_scoped3A : memref<!tpu.dma_semaphore, #tpu.memory_space<semaphore_mem>>) src(%arg14 : memref<80x128xf32, #tpu.memory_space<vmem>>) dst(%dma_wait3A_204 : memref<80x128xf32, #tpu.memory_space<vmem_shared>>)
        tpu.yield
      }) : () -> ()
      %add3A_186 = arith.constant 240 : i32
      %add3A_187 = arith.addi %multiple_of3A_32, %add3A_186 : i32
      "tpu.region"() ({
        %run_scoped3A = tpu.sem_alloc : memref<!tpu.dma_semaphore, #tpu.memory_space<semaphore_mem>>
        %dma_start3A_197 = arith.constant 0 : i32
        %dma_start3A_198 = tpu.memref_slice %arg21[%add3A_187, %dma_start3A_197] : memref<10000x128xf32, #tpu.memory_space<vmem_shared>> -> memref<80x128xf32, #tpu.memory_space<vmem_shared>>
        %dma_start3A_199 = arith.constant 0 : i32
        %dma_start3A_200 = tpu.memref_slice %arg21[%add3A_187, %dma_start3A_199] : memref<10000x128xf32, #tpu.memory_space<vmem_shared>> -> memref<80x128xf32, #tpu.memory_space<vmem_shared>>
        tpu.enqueue_dma source(%arg14 : memref<80x128xf32, #tpu.memory_space<vmem>>) target(%dma_start3A_200 : memref<80x128xf32, #tpu.memory_space<vmem_shared>>) target_semaphore(%run_scoped3A : memref<!tpu.dma_semaphore, #tpu.memory_space<semaphore_mem>>)
        %dma_wait3A_201 = arith.constant 0 : i32
        %dma_wait3A_202 = tpu.memref_slice %arg21[%add3A_187, %dma_wait3A_201] : memref<10000x128xf32, #tpu.memory_space<vmem_shared>> -> memref<80x128xf32, #tpu.memory_space<vmem_shared>>
        %dma_wait3A_203 = arith.constant 0 : i32
        %dma_wait3A_204 = tpu.memref_slice %arg21[%add3A_187, %dma_wait3A_203] : memref<10000x128xf32, #tpu.memory_space<vmem_shared>> -> memref<80x128xf32, #tpu.memory_space<vmem_shared>>
        tpu.wait_dma2 semaphore(%run_scoped3A : memref<!tpu.dma_semaphore, #tpu.memory_space<semaphore_mem>>) src(%arg14 : memref<80x128xf32, #tpu.memory_space<vmem>>) dst(%dma_wait3A_204 : memref<80x128xf32, #tpu.memory_space<vmem_shared>>)
        tpu.yield
      }) : () -> ()
      %add3A_188 = arith.constant 320 : i32
      %add3A_189 = arith.addi %multiple_of3A_32, %add3A_188 : i32
      "tpu.region"() ({
        %run_scoped3A = tpu.sem_alloc : memref<!tpu.dma_semaphore, #tpu.memory_space<semaphore_mem>>
        %dma_start3A_197 = arith.constant 0 : i32
        %dma_start3A_198 = tpu.memref_slice %arg21[%add3A_189, %dma_start3A_197] : memref<10000x128xf32, #tpu.memory_space<vmem_shared>> -> memref<80x128xf32, #tpu.memory_space<vmem_shared>>
        %dma_start3A_199 = arith.constant 0 : i32
        %dma_start3A_200 = tpu.memref_slice %arg21[%add3A_189, %dma_start3A_199] : memref<10000x128xf32, #tpu.memory_space<vmem_shared>> -> memref<80x128xf32, #tpu.memory_space<vmem_shared>>
        tpu.enqueue_dma source(%arg14 : memref<80x128xf32, #tpu.memory_space<vmem>>) target(%dma_start3A_200 : memref<80x128xf32, #tpu.memory_space<vmem_shared>>) target_semaphore(%run_scoped3A : memref<!tpu.dma_semaphore, #tpu.memory_space<semaphore_mem>>)
        %dma_wait3A_201 = arith.constant 0 : i32
        %dma_wait3A_202 = tpu.memref_slice %arg21[%add3A_189, %dma_wait3A_201] : memref<10000x128xf32, #tpu.memory_space<vmem_shared>> -> memref<80x128xf32, #tpu.memory_space<vmem_shared>>
        %dma_wait3A_203 = arith.constant 0 : i32
        %dma_wait3A_204 = tpu.memref_slice %arg21[%add3A_189, %dma_wait3A_203] : memref<10000x128xf32, #tpu.memory_space<vmem_shared>> -> memref<80x128xf32, #tpu.memory_space<vmem_shared>>
        tpu.wait_dma2 semaphore(%run_scoped3A : memref<!tpu.dma_semaphore, #tpu.memory_space<semaphore_mem>>) src(%arg14 : memref<80x128xf32, #tpu.memory_space<vmem>>) dst(%dma_wait3A_204 : memref<80x128xf32, #tpu.memory_space<vmem_shared>>)
        tpu.yield
      }) : () -> ()
      %add3A_190 = arith.constant 400 : i32
      %add3A_191 = arith.addi %multiple_of3A_32, %add3A_190 : i32
      "tpu.region"() ({
        %run_scoped3A = tpu.sem_alloc : memref<!tpu.dma_semaphore, #tpu.memory_space<semaphore_mem>>
        %dma_start3A_197 = arith.constant 0 : i32
        %dma_start3A_198 = tpu.memref_slice %arg21[%add3A_191, %dma_start3A_197] : memref<10000x128xf32, #tpu.memory_space<vmem_shared>> -> memref<80x128xf32, #tpu.memory_space<vmem_shared>>
        %dma_start3A_199 = arith.constant 0 : i32
        %dma_start3A_200 = tpu.memref_slice %arg21[%add3A_191, %dma_start3A_199] : memref<10000x128xf32, #tpu.memory_space<vmem_shared>> -> memref<80x128xf32, #tpu.memory_space<vmem_shared>>
        tpu.enqueue_dma source(%arg14 : memref<80x128xf32, #tpu.memory_space<vmem>>) target(%dma_start3A_200 : memref<80x128xf32, #tpu.memory_space<vmem_shared>>) target_semaphore(%run_scoped3A : memref<!tpu.dma_semaphore, #tpu.memory_space<semaphore_mem>>)
        %dma_wait3A_201 = arith.constant 0 : i32
        %dma_wait3A_202 = tpu.memref_slice %arg21[%add3A_191, %dma_wait3A_201] : memref<10000x128xf32, #tpu.memory_space<vmem_shared>> -> memref<80x128xf32, #tpu.memory_space<vmem_shared>>
        %dma_wait3A_203 = arith.constant 0 : i32
        %dma_wait3A_204 = tpu.memref_slice %arg21[%add3A_191, %dma_wait3A_203] : memref<10000x128xf32, #tpu.memory_space<vmem_shared>> -> memref<80x128xf32, #tpu.memory_space<vmem_shared>>
        tpu.wait_dma2 semaphore(%run_scoped3A : memref<!tpu.dma_semaphore, #tpu.memory_space<semaphore_mem>>) src(%arg14 : memref<80x128xf32, #tpu.memory_space<vmem>>) dst(%dma_wait3A_204 : memref<80x128xf32, #tpu.memory_space<vmem_shared>>)
        tpu.yield
      }) : () -> ()
      %add3A_192 = arith.constant 480 : i32
      %add3A_193 = arith.addi %multiple_of3A_32, %add3A_192 : i32
      "tpu.region"() ({
        %run_scoped3A = tpu.sem_alloc : memref<!tpu.dma_semaphore, #tpu.memory_space<semaphore_mem>>
        %dma_start3A_197 = arith.constant 0 : i32
        %dma_start3A_198 = tpu.memref_slice %arg21[%add3A_193, %dma_start3A_197] : memref<10000x128xf32, #tpu.memory_space<vmem_shared>> -> memref<80x128xf32, #tpu.memory_space<vmem_shared>>
        %dma_start3A_199 = arith.constant 0 : i32
        %dma_start3A_200 = tpu.memref_slice %arg21[%add3A_193, %dma_start3A_199] : memref<10000x128xf32, #tpu.memory_space<vmem_shared>> -> memref<80x128xf32, #tpu.memory_space<vmem_shared>>
        tpu.enqueue_dma source(%arg14 : memref<80x128xf32, #tpu.memory_space<vmem>>) target(%dma_start3A_200 : memref<80x128xf32, #tpu.memory_space<vmem_shared>>) target_semaphore(%run_scoped3A : memref<!tpu.dma_semaphore, #tpu.memory_space<semaphore_mem>>)
        %dma_wait3A_201 = arith.constant 0 : i32
        %dma_wait3A_202 = tpu.memref_slice %arg21[%add3A_193, %dma_wait3A_201] : memref<10000x128xf32, #tpu.memory_space<vmem_shared>> -> memref<80x128xf32, #tpu.memory_space<vmem_shared>>
        %dma_wait3A_203 = arith.constant 0 : i32
        %dma_wait3A_204 = tpu.memref_slice %arg21[%add3A_193, %dma_wait3A_203] : memref<10000x128xf32, #tpu.memory_space<vmem_shared>> -> memref<80x128xf32, #tpu.memory_space<vmem_shared>>
        tpu.wait_dma2 semaphore(%run_scoped3A : memref<!tpu.dma_semaphore, #tpu.memory_space<semaphore_mem>>) src(%arg14 : memref<80x128xf32, #tpu.memory_space<vmem>>) dst(%dma_wait3A_204 : memref<80x128xf32, #tpu.memory_space<vmem_shared>>)
        tpu.yield
      }) : () -> ()
      %add3A_194 = arith.constant 632 : i32
      %add3A_195 = arith.addi %multiple_of3A_32, %add3A_194 : i32
      %sub3A = arith.constant 72 : i32
      %sub3A_196 = arith.subi %add3A_195, %sub3A : i32
      "tpu.region"() ({
        %run_scoped3A = tpu.sem_alloc : memref<!tpu.dma_semaphore, #tpu.memory_space<semaphore_mem>>
        %dma_start3A_197 = arith.constant 0 : i32
        %dma_start3A_198 = arith.constant 0 : i32
        %dma_start3A_199 = tpu.memref_slice %arg14[%dma_start3A_197, %dma_start3A_198] : memref<80x128xf32, #tpu.memory_space<vmem>> -> memref<72x128xf32, #tpu.memory_space<vmem>>
        %dma_start3A_200 = arith.constant 0 : i32
        %dma_start3A_201 = tpu.memref_slice %arg21[%sub3A_196, %dma_start3A_200] : memref<10000x128xf32, #tpu.memory_space<vmem_shared>> -> memref<72x128xf32, #tpu.memory_space<vmem_shared>>
        %dma_start3A_202 = arith.constant 0 : i32
        %dma_start3A_203 = tpu.memref_slice %arg21[%sub3A_196, %dma_start3A_202] : memref<10000x128xf32, #tpu.memory_space<vmem_shared>> -> memref<72x128xf32, #tpu.memory_space<vmem_shared>>
        %dma_start3A_204 = arith.constant 0 : i32
        %dma_start3A_205 = arith.constant 0 : i32
        %dma_start3A_206 = tpu.memref_slice %arg14[%dma_start3A_204, %dma_start3A_205] : memref<80x128xf32, #tpu.memory_space<vmem>> -> memref<72x128xf32, #tpu.memory_space<vmem>>
        tpu.enqueue_dma source(%dma_start3A_206 : memref<72x128xf32, #tpu.memory_space<vmem>>) target(%dma_start3A_203 : memref<72x128xf32, #tpu.memory_space<vmem_shared>>) target_semaphore(%run_scoped3A : memref<!tpu.dma_semaphore, #tpu.memory_space<semaphore_mem>>)
        %dma_wait3A_207 = arith.constant 0 : i32
        %dma_wait3A_208 = arith.constant 0 : i32
        %dma_wait3A_209 = tpu.memref_slice %arg14[%dma_wait3A_207, %dma_wait3A_208] : memref<80x128xf32, #tpu.memory_space<vmem>> -> memref<72x128xf32, #tpu.memory_space<vmem>>
        %dma_wait3A_210 = arith.constant 0 : i32
        %dma_wait3A_211 = tpu.memref_slice %arg21[%sub3A_196, %dma_wait3A_210] : memref<10000x128xf32, #tpu.memory_space<vmem_shared>> -> memref<72x128xf32, #tpu.memory_space<vmem_shared>>
        %dma_wait3A_212 = arith.constant 0 : i32
        %dma_wait3A_213 = tpu.memref_slice %arg21[%sub3A_196, %dma_wait3A_212] : memref<10000x128xf32, #tpu.memory_space<vmem_shared>> -> memref<72x128xf32, #tpu.memory_space<vmem_shared>>
        %dma_wait3A_214 = arith.constant 0 : i32
        %dma_wait3A_215 = arith.constant 0 : i32
        %dma_wait3A_216 = tpu.memref_slice %arg14[%dma_wait3A_214, %dma_wait3A_215] : memref<80x128xf32, #tpu.memory_space<vmem>> -> memref<72x128xf32, #tpu.memory_space<vmem>>
        tpu.wait_dma2 semaphore(%run_scoped3A : memref<!tpu.dma_semaphore, #tpu.memory_space<semaphore_mem>>) src(%dma_wait3A_216 : memref<72x128xf32, #tpu.memory_space<vmem>>) dst(%dma_wait3A_213 : memref<72x128xf32, #tpu.memory_space<vmem_shared>>)
        tpu.yield
      }) : () -> ()
    } else {
    }
    %eq3A = arith.constant 15 : i32
    %eq3A_35 = arith.cmpi eq, %arg1, %eq3A : i32
    %convert_element_type3A_36 = arith.extui %eq3A_35 : i1 to i32
    %cond3A_37 = arith.constant 0 : i32
    %cond3A_38 = arith.cmpi ne, %convert_element_type3A_36, %cond3A_37 : i32
    scf.if %cond3A_38 {
      "tpu.region"() ({
        %run_scoped3A = tpu.sem_alloc : memref<!tpu.dma_semaphore, #tpu.memory_space<semaphore_mem>>
        %dma_start3A_180 = arith.constant 9480 : i32
        %dma_start3A_181 = arith.constant 0 : i32
        %dma_start3A_182 = tpu.memref_slice %arg21[%dma_start3A_180, %dma_start3A_181] : memref<10000x128xf32, #tpu.memory_space<vmem_shared>> -> memref<80x128xf32, #tpu.memory_space<vmem_shared>>
        %dma_start3A_183 = arith.constant 9480 : i32
        %dma_start3A_184 = arith.constant 0 : i32
        %dma_start3A_185 = tpu.memref_slice %arg21[%dma_start3A_183, %dma_start3A_184] : memref<10000x128xf32, #tpu.memory_space<vmem_shared>> -> memref<80x128xf32, #tpu.memory_space<vmem_shared>>
        tpu.enqueue_dma source(%arg14 : memref<80x128xf32, #tpu.memory_space<vmem>>) target(%dma_start3A_185 : memref<80x128xf32, #tpu.memory_space<vmem_shared>>) target_semaphore(%run_scoped3A : memref<!tpu.dma_semaphore, #tpu.memory_space<semaphore_mem>>)
        %dma_wait3A_186 = arith.constant 9480 : i32
        %dma_wait3A_187 = arith.constant 0 : i32
        %dma_wait3A_188 = tpu.memref_slice %arg21[%dma_wait3A_186, %dma_wait3A_187] : memref<10000x128xf32, #tpu.memory_space<vmem_shared>> -> memref<80x128xf32, #tpu.memory_space<vmem_shared>>
        %dma_wait3A_189 = arith.constant 9480 : i32
        %dma_wait3A_190 = arith.constant 0 : i32
        %dma_wait3A_191 = tpu.memref_slice %arg21[%dma_wait3A_189, %dma_wait3A_190] : memref<10000x128xf32, #tpu.memory_space<vmem_shared>> -> memref<80x128xf32, #tpu.memory_space<vmem_shared>>
        tpu.wait_dma2 semaphore(%run_scoped3A : memref<!tpu.dma_semaphore, #tpu.memory_space<semaphore_mem>>) src(%arg14 : memref<80x128xf32, #tpu.memory_space<vmem>>) dst(%dma_wait3A_191 : memref<80x128xf32, #tpu.memory_space<vmem_shared>>)
        tpu.yield
      }) : () -> ()
      "tpu.region"() ({
        %run_scoped3A = tpu.sem_alloc : memref<!tpu.dma_semaphore, #tpu.memory_space<semaphore_mem>>
        %dma_start3A_180 = arith.constant 9560 : i32
        %dma_start3A_181 = arith.constant 0 : i32
        %dma_start3A_182 = tpu.memref_slice %arg21[%dma_start3A_180, %dma_start3A_181] : memref<10000x128xf32, #tpu.memory_space<vmem_shared>> -> memref<80x128xf32, #tpu.memory_space<vmem_shared>>
        %dma_start3A_183 = arith.constant 9560 : i32
        %dma_start3A_184 = arith.constant 0 : i32
        %dma_start3A_185 = tpu.memref_slice %arg21[%dma_start3A_183, %dma_start3A_184] : memref<10000x128xf32, #tpu.memory_space<vmem_shared>> -> memref<80x128xf32, #tpu.memory_space<vmem_shared>>
        tpu.enqueue_dma source(%arg14 : memref<80x128xf32, #tpu.memory_space<vmem>>) target(%dma_start3A_185 : memref<80x128xf32, #tpu.memory_space<vmem_shared>>) target_semaphore(%run_scoped3A : memref<!tpu.dma_semaphore, #tpu.memory_space<semaphore_mem>>)
        %dma_wait3A_186 = arith.constant 9560 : i32
        %dma_wait3A_187 = arith.constant 0 : i32
        %dma_wait3A_188 = tpu.memref_slice %arg21[%dma_wait3A_186, %dma_wait3A_187] : memref<10000x128xf32, #tpu.memory_space<vmem_shared>> -> memref<80x128xf32, #tpu.memory_space<vmem_shared>>
        %dma_wait3A_189 = arith.constant 9560 : i32
        %dma_wait3A_190 = arith.constant 0 : i32
        %dma_wait3A_191 = tpu.memref_slice %arg21[%dma_wait3A_189, %dma_wait3A_190] : memref<10000x128xf32, #tpu.memory_space<vmem_shared>> -> memref<80x128xf32, #tpu.memory_space<vmem_shared>>
        tpu.wait_dma2 semaphore(%run_scoped3A : memref<!tpu.dma_semaphore, #tpu.memory_space<semaphore_mem>>) src(%arg14 : memref<80x128xf32, #tpu.memory_space<vmem>>) dst(%dma_wait3A_191 : memref<80x128xf32, #tpu.memory_space<vmem_shared>>)
        tpu.yield
      }) : () -> ()
      "tpu.region"() ({
        %run_scoped3A = tpu.sem_alloc : memref<!tpu.dma_semaphore, #tpu.memory_space<semaphore_mem>>
        %dma_start3A_180 = arith.constant 9640 : i32
        %dma_start3A_181 = arith.constant 0 : i32
        %dma_start3A_182 = tpu.memref_slice %arg21[%dma_start3A_180, %dma_start3A_181] : memref<10000x128xf32, #tpu.memory_space<vmem_shared>> -> memref<80x128xf32, #tpu.memory_space<vmem_shared>>
        %dma_start3A_183 = arith.constant 9640 : i32
        %dma_start3A_184 = arith.constant 0 : i32
        %dma_start3A_185 = tpu.memref_slice %arg21[%dma_start3A_183, %dma_start3A_184] : memref<10000x128xf32, #tpu.memory_space<vmem_shared>> -> memref<80x128xf32, #tpu.memory_space<vmem_shared>>
        tpu.enqueue_dma source(%arg14 : memref<80x128xf32, #tpu.memory_space<vmem>>) target(%dma_start3A_185 : memref<80x128xf32, #tpu.memory_space<vmem_shared>>) target_semaphore(%run_scoped3A : memref<!tpu.dma_semaphore, #tpu.memory_space<semaphore_mem>>)
        %dma_wait3A_186 = arith.constant 9640 : i32
        %dma_wait3A_187 = arith.constant 0 : i32
        %dma_wait3A_188 = tpu.memref_slice %arg21[%dma_wait3A_186, %dma_wait3A_187] : memref<10000x128xf32, #tpu.memory_space<vmem_shared>> -> memref<80x128xf32, #tpu.memory_space<vmem_shared>>
        %dma_wait3A_189 = arith.constant 9640 : i32
        %dma_wait3A_190 = arith.constant 0 : i32
        %dma_wait3A_191 = tpu.memref_slice %arg21[%dma_wait3A_189, %dma_wait3A_190] : memref<10000x128xf32, #tpu.memory_space<vmem_shared>> -> memref<80x128xf32, #tpu.memory_space<vmem_shared>>
        tpu.wait_dma2 semaphore(%run_scoped3A : memref<!tpu.dma_semaphore, #tpu.memory_space<semaphore_mem>>) src(%arg14 : memref<80x128xf32, #tpu.memory_space<vmem>>) dst(%dma_wait3A_191 : memref<80x128xf32, #tpu.memory_space<vmem_shared>>)
        tpu.yield
      }) : () -> ()
      "tpu.region"() ({
        %run_scoped3A = tpu.sem_alloc : memref<!tpu.dma_semaphore, #tpu.memory_space<semaphore_mem>>
        %dma_start3A_180 = arith.constant 9720 : i32
        %dma_start3A_181 = arith.constant 0 : i32
        %dma_start3A_182 = tpu.memref_slice %arg21[%dma_start3A_180, %dma_start3A_181] : memref<10000x128xf32, #tpu.memory_space<vmem_shared>> -> memref<80x128xf32, #tpu.memory_space<vmem_shared>>
        %dma_start3A_183 = arith.constant 9720 : i32
        %dma_start3A_184 = arith.constant 0 : i32
        %dma_start3A_185 = tpu.memref_slice %arg21[%dma_start3A_183, %dma_start3A_184] : memref<10000x128xf32, #tpu.memory_space<vmem_shared>> -> memref<80x128xf32, #tpu.memory_space<vmem_shared>>
        tpu.enqueue_dma source(%arg14 : memref<80x128xf32, #tpu.memory_space<vmem>>) target(%dma_start3A_185 : memref<80x128xf32, #tpu.memory_space<vmem_shared>>) target_semaphore(%run_scoped3A : memref<!tpu.dma_semaphore, #tpu.memory_space<semaphore_mem>>)
        %dma_wait3A_186 = arith.constant 9720 : i32
        %dma_wait3A_187 = arith.constant 0 : i32
        %dma_wait3A_188 = tpu.memref_slice %arg21[%dma_wait3A_186, %dma_wait3A_187] : memref<10000x128xf32, #tpu.memory_space<vmem_shared>> -> memref<80x128xf32, #tpu.memory_space<vmem_shared>>
        %dma_wait3A_189 = arith.constant 9720 : i32
        %dma_wait3A_190 = arith.constant 0 : i32
        %dma_wait3A_191 = tpu.memref_slice %arg21[%dma_wait3A_189, %dma_wait3A_190] : memref<10000x128xf32, #tpu.memory_space<vmem_shared>> -> memref<80x128xf32, #tpu.memory_space<vmem_shared>>
        tpu.wait_dma2 semaphore(%run_scoped3A : memref<!tpu.dma_semaphore, #tpu.memory_space<semaphore_mem>>) src(%arg14 : memref<80x128xf32, #tpu.memory_space<vmem>>) dst(%dma_wait3A_191 : memref<80x128xf32, #tpu.memory_space<vmem_shared>>)
        tpu.yield
      }) : () -> ()
      "tpu.region"() ({
        %run_scoped3A = tpu.sem_alloc : memref<!tpu.dma_semaphore, #tpu.memory_space<semaphore_mem>>
        %dma_start3A_180 = arith.constant 9800 : i32
        %dma_start3A_181 = arith.constant 0 : i32
        %dma_start3A_182 = tpu.memref_slice %arg21[%dma_start3A_180, %dma_start3A_181] : memref<10000x128xf32, #tpu.memory_space<vmem_shared>> -> memref<80x128xf32, #tpu.memory_space<vmem_shared>>
        %dma_start3A_183 = arith.constant 9800 : i32
        %dma_start3A_184 = arith.constant 0 : i32
        %dma_start3A_185 = tpu.memref_slice %arg21[%dma_start3A_183, %dma_start3A_184] : memref<10000x128xf32, #tpu.memory_space<vmem_shared>> -> memref<80x128xf32, #tpu.memory_space<vmem_shared>>
        tpu.enqueue_dma source(%arg14 : memref<80x128xf32, #tpu.memory_space<vmem>>) target(%dma_start3A_185 : memref<80x128xf32, #tpu.memory_space<vmem_shared>>) target_semaphore(%run_scoped3A : memref<!tpu.dma_semaphore, #tpu.memory_space<semaphore_mem>>)
        %dma_wait3A_186 = arith.constant 9800 : i32
        %dma_wait3A_187 = arith.constant 0 : i32
        %dma_wait3A_188 = tpu.memref_slice %arg21[%dma_wait3A_186, %dma_wait3A_187] : memref<10000x128xf32, #tpu.memory_space<vmem_shared>> -> memref<80x128xf32, #tpu.memory_space<vmem_shared>>
        %dma_wait3A_189 = arith.constant 9800 : i32
        %dma_wait3A_190 = arith.constant 0 : i32
        %dma_wait3A_191 = tpu.memref_slice %arg21[%dma_wait3A_189, %dma_wait3A_190] : memref<10000x128xf32, #tpu.memory_space<vmem_shared>> -> memref<80x128xf32, #tpu.memory_space<vmem_shared>>
        tpu.wait_dma2 semaphore(%run_scoped3A : memref<!tpu.dma_semaphore, #tpu.memory_space<semaphore_mem>>) src(%arg14 : memref<80x128xf32, #tpu.memory_space<vmem>>) dst(%dma_wait3A_191 : memref<80x128xf32, #tpu.memory_space<vmem_shared>>)
        tpu.yield
      }) : () -> ()
      "tpu.region"() ({
        %run_scoped3A = tpu.sem_alloc : memref<!tpu.dma_semaphore, #tpu.memory_space<semaphore_mem>>
        %dma_start3A_180 = arith.constant 9880 : i32
        %dma_start3A_181 = arith.constant 0 : i32
        %dma_start3A_182 = tpu.memref_slice %arg21[%dma_start3A_180, %dma_start3A_181] : memref<10000x128xf32, #tpu.memory_space<vmem_shared>> -> memref<80x128xf32, #tpu.memory_space<vmem_shared>>
        %dma_start3A_183 = arith.constant 9880 : i32
        %dma_start3A_184 = arith.constant 0 : i32
        %dma_start3A_185 = tpu.memref_slice %arg21[%dma_start3A_183, %dma_start3A_184] : memref<10000x128xf32, #tpu.memory_space<vmem_shared>> -> memref<80x128xf32, #tpu.memory_space<vmem_shared>>
        tpu.enqueue_dma source(%arg14 : memref<80x128xf32, #tpu.memory_space<vmem>>) target(%dma_start3A_185 : memref<80x128xf32, #tpu.memory_space<vmem_shared>>) target_semaphore(%run_scoped3A : memref<!tpu.dma_semaphore, #tpu.memory_space<semaphore_mem>>)
        %dma_wait3A_186 = arith.constant 9880 : i32
        %dma_wait3A_187 = arith.constant 0 : i32
        %dma_wait3A_188 = tpu.memref_slice %arg21[%dma_wait3A_186, %dma_wait3A_187] : memref<10000x128xf32, #tpu.memory_space<vmem_shared>> -> memref<80x128xf32, #tpu.memory_space<vmem_shared>>
        %dma_wait3A_189 = arith.constant 9880 : i32
        %dma_wait3A_190 = arith.constant 0 : i32
        %dma_wait3A_191 = tpu.memref_slice %arg21[%dma_wait3A_189, %dma_wait3A_190] : memref<10000x128xf32, #tpu.memory_space<vmem_shared>> -> memref<80x128xf32, #tpu.memory_space<vmem_shared>>
        tpu.wait_dma2 semaphore(%run_scoped3A : memref<!tpu.dma_semaphore, #tpu.memory_space<semaphore_mem>>) src(%arg14 : memref<80x128xf32, #tpu.memory_space<vmem>>) dst(%dma_wait3A_191 : memref<80x128xf32, #tpu.memory_space<vmem_shared>>)
        tpu.yield
      }) : () -> ()
      "tpu.region"() ({
        %run_scoped3A = tpu.sem_alloc : memref<!tpu.dma_semaphore, #tpu.memory_space<semaphore_mem>>
        %dma_start3A_180 = arith.constant 0 : i32
        %dma_start3A_181 = arith.constant 0 : i32
        %dma_start3A_182 = tpu.memref_slice %arg14[%dma_start3A_180, %dma_start3A_181] : memref<80x128xf32, #tpu.memory_space<vmem>> -> memref<40x128xf32, #tpu.memory_space<vmem>>
        %dma_start3A_183 = arith.constant 9960 : i32
        %dma_start3A_184 = arith.constant 0 : i32
        %dma_start3A_185 = tpu.memref_slice %arg21[%dma_start3A_183, %dma_start3A_184] : memref<10000x128xf32, #tpu.memory_space<vmem_shared>> -> memref<40x128xf32, #tpu.memory_space<vmem_shared>>
        %dma_start3A_186 = arith.constant 9960 : i32
        %dma_start3A_187 = arith.constant 0 : i32
        %dma_start3A_188 = tpu.memref_slice %arg21[%dma_start3A_186, %dma_start3A_187] : memref<10000x128xf32, #tpu.memory_space<vmem_shared>> -> memref<40x128xf32, #tpu.memory_space<vmem_shared>>
        %dma_start3A_189 = arith.constant 0 : i32
        %dma_start3A_190 = arith.constant 0 : i32
        %dma_start3A_191 = tpu.memref_slice %arg14[%dma_start3A_189, %dma_start3A_190] : memref<80x128xf32, #tpu.memory_space<vmem>> -> memref<40x128xf32, #tpu.memory_space<vmem>>
        tpu.enqueue_dma source(%dma_start3A_191 : memref<40x128xf32, #tpu.memory_space<vmem>>) target(%dma_start3A_188 : memref<40x128xf32, #tpu.memory_space<vmem_shared>>) target_semaphore(%run_scoped3A : memref<!tpu.dma_semaphore, #tpu.memory_space<semaphore_mem>>)
        %dma_wait3A_192 = arith.constant 0 : i32
        %dma_wait3A_193 = arith.constant 0 : i32
        %dma_wait3A_194 = tpu.memref_slice %arg14[%dma_wait3A_192, %dma_wait3A_193] : memref<80x128xf32, #tpu.memory_space<vmem>> -> memref<40x128xf32, #tpu.memory_space<vmem>>
        %dma_wait3A_195 = arith.constant 9960 : i32
        %dma_wait3A_196 = arith.constant 0 : i32
        %dma_wait3A_197 = tpu.memref_slice %arg21[%dma_wait3A_195, %dma_wait3A_196] : memref<10000x128xf32, #tpu.memory_space<vmem_shared>> -> memref<40x128xf32, #tpu.memory_space<vmem_shared>>
        %dma_wait3A_198 = arith.constant 9960 : i32
        %dma_wait3A_199 = arith.constant 0 : i32
        %dma_wait3A_200 = tpu.memref_slice %arg21[%dma_wait3A_198, %dma_wait3A_199] : memref<10000x128xf32, #tpu.memory_space<vmem_shared>> -> memref<40x128xf32, #tpu.memory_space<vmem_shared>>
        %dma_wait3A_201 = arith.constant 0 : i32
        %dma_wait3A_202 = arith.constant 0 : i32
        %dma_wait3A_203 = tpu.memref_slice %arg14[%dma_wait3A_201, %dma_wait3A_202] : memref<80x128xf32, #tpu.memory_space<vmem>> -> memref<40x128xf32, #tpu.memory_space<vmem>>
        tpu.wait_dma2 semaphore(%run_scoped3A : memref<!tpu.dma_semaphore, #tpu.memory_space<semaphore_mem>>) src(%dma_wait3A_203 : memref<40x128xf32, #tpu.memory_space<vmem>>) dst(%dma_wait3A_200 : memref<40x128xf32, #tpu.memory_space<vmem_shared>>)
        tpu.yield
      }) : () -> ()
    } else {
    }
    %mul3A_39 = arith.constant 640 : i32
    %mul3A_40 = arith.muli %arg1, %mul3A_39 : i32
    %multiple_of3A_41 = tpu.assume_multiple %mul3A_40, 8 : i32
    "tpu.region"() ({
      %run_scoped3A = tpu.sem_alloc : memref<!tpu.dma_semaphore, #tpu.memory_space<semaphore_mem>>
      %dma_start3A_180 = tpu.memref_slice %arg22[%multiple_of3A_41] : memref<10240xf32, #tpu.memory_space<vmem_shared>> -> memref<640xf32, #tpu.memory_space<vmem_shared>>
      %dma_start3A_181 = tpu.memref_slice %arg22[%multiple_of3A_41] : memref<10240xf32, #tpu.memory_space<vmem_shared>> -> memref<640xf32, #tpu.memory_space<vmem_shared>>
      tpu.enqueue_dma source(%arg20 : memref<640xf32, #tpu.memory_space<vmem>>) target(%dma_start3A_181 : memref<640xf32, #tpu.memory_space<vmem_shared>>) target_semaphore(%run_scoped3A : memref<!tpu.dma_semaphore, #tpu.memory_space<semaphore_mem>>)
      %dma_wait3A_182 = tpu.memref_slice %arg22[%multiple_of3A_41] : memref<10240xf32, #tpu.memory_space<vmem_shared>> -> memref<640xf32, #tpu.memory_space<vmem_shared>>
      %dma_wait3A_183 = tpu.memref_slice %arg22[%multiple_of3A_41] : memref<10240xf32, #tpu.memory_space<vmem_shared>> -> memref<640xf32, #tpu.memory_space<vmem_shared>>
      tpu.wait_dma2 semaphore(%run_scoped3A : memref<!tpu.dma_semaphore, #tpu.memory_space<semaphore_mem>>) src(%arg20 : memref<640xf32, #tpu.memory_space<vmem>>) dst(%dma_wait3A_183 : memref<640xf32, #tpu.memory_space<vmem_shared>>)
      tpu.yield
    }) : () -> ()
    tpu.wait_dma2 semaphore(%arg23 : memref<!tpu.dma_semaphore, #tpu.memory_space<semaphore_mem>>) src(%arg3 : memref<10000xf32, #tpu.memory_space<hbm>>) dst(%arg8 : memref<10000xf32, #tpu.memory_space<vmem>>)
    tpu.wait_dma2 semaphore(%arg23 : memref<!tpu.dma_semaphore, #tpu.memory_space<semaphore_mem>>) src(%arg4 : memref<10000xf32, #tpu.memory_space<hbm>>) dst(%arg9 : memref<10000xf32, #tpu.memory_space<vmem>>)
    %dma_wait3A = arith.constant 0 : i32
    %dma_wait3A_42 = tpu.memref_slice %arg5[%dma_wait3A] : memref<640000xi32, #tpu.memory_space<hbm>> -> memref<80xi32, #tpu.memory_space<hbm>>
    %dma_wait3A_43 = arith.constant 0 : i32
    %dma_wait3A_44 = tpu.memref_slice %arg5[%dma_wait3A_43] : memref<640000xi32, #tpu.memory_space<hbm>> -> memref<80xi32, #tpu.memory_space<hbm>>
    tpu.wait_dma2 semaphore(%arg24 : memref<!tpu.dma_semaphore, #tpu.memory_space<semaphore_mem>>) src(%dma_wait3A_44 : memref<80xi32, #tpu.memory_space<hbm>>) dst(%arg10 : memref<80xi32, #tpu.memory_space<vmem>>)
    %dma_wait3A_45 = arith.constant 0 : i32
    %dma_wait3A_46 = tpu.memref_slice %arg5[%dma_wait3A_45] : memref<640000xi32, #tpu.memory_space<hbm>> -> memref<80xi32, #tpu.memory_space<hbm>>
    %dma_wait3A_47 = arith.constant 0 : i32
    %dma_wait3A_48 = tpu.memref_slice %arg5[%dma_wait3A_47] : memref<640000xi32, #tpu.memory_space<hbm>> -> memref<80xi32, #tpu.memory_space<hbm>>
    tpu.wait_dma2 semaphore(%arg24 : memref<!tpu.dma_semaphore, #tpu.memory_space<semaphore_mem>>) src(%dma_wait3A_48 : memref<80xi32, #tpu.memory_space<hbm>>) dst(%arg12 : memref<80xi32, #tpu.memory_space<vmem>>)
    %dma_start3A_49 = arith.constant 0 : i32
    %dma_start3A_50 = arith.constant 0 : i32
    %dma_start3A_51 = tpu.memref_slice %arg2[%dma_start3A_49, %dma_start3A_50] : memref<10000x128xf32, #tpu.memory_space<hbm>> -> memref<10000x128xf32, #tpu.memory_space<hbm>>
    tpu.enqueue_indirect_dma source(%dma_start3A_51 : memref<10000x128xf32, #tpu.memory_space<hbm>>) target(%arg14 : memref<80x128xf32, #tpu.memory_space<vmem>>) offsets(%arg10 : memref<80xi32, #tpu.memory_space<vmem>>) semaphore(%arg26 : memref<!tpu.dma_semaphore, #tpu.memory_space<semaphore_mem>>)
    %barrier3A = arith.constant 0 : index
    tpu.barrier barrier_id(%barrier3A)
    %scan3A_52 = arith.constant 0 : i32
    %scan3A_53 = arith.constant 62 : i32
    %scan3A_54 = arith.addi %scan3A_52, %scan3A_53 : i32
    %scan3A_55 = arith.constant 1 : i32
    scf.for %scan3A_180 = %scan3A_52 to %scan3A_54 step %scan3A_55  : i32 {
      %mul3A_181 = arith.constant 1 : i32
      %mul3A_182 = arith.muli %scan3A_180, %mul3A_181 : i32
      %add3A_183 = arith.constant 0 : i32
      %add3A_184 = arith.addi %add3A_183, %mul3A_182 : i32
      %mul3A_185 = arith.constant 2 : i32
      %mul3A_186 = arith.muli %mul3A_185, %add3A_184 : i32
      %add3A_187 = arith.constant 0 : i32
      %add3A_188 = arith.addi %mul3A_186, %add3A_187 : i32
      %dma_wait3A_189 = arith.constant 0 : i32
      %dma_wait3A_190 = arith.constant 0 : i32
      %dma_wait3A_191 = tpu.memref_slice %arg2[%dma_wait3A_189, %dma_wait3A_190] : memref<10000x128xf32, #tpu.memory_space<hbm>> -> memref<10000x128xf32, #tpu.memory_space<hbm>>
      tpu.wait_indirect_dma semaphore(%arg26 : memref<!tpu.dma_semaphore, #tpu.memory_space<semaphore_mem>>) src(%dma_wait3A_191 : memref<10000x128xf32, #tpu.memory_space<hbm>>) dst(%arg14 : memref<80x128xf32, #tpu.memory_space<vmem>>)
      %add3A_192 = arith.constant 0 : i32
      %add3A_193 = arith.addi %add3A_184, %add3A_192 : i32
      %gt3A_194 = arith.constant 0 : i32
      %gt3A_195 = arith.cmpi sgt, %add3A_193, %gt3A_194 : i32
      %convert_element_type3A_196 = arith.extui %gt3A_195 : i1 to i32
      %cond3A_197 = arith.constant 0 : i32
      %cond3A_198 = arith.cmpi ne, %convert_element_type3A_196, %cond3A_197 : i32
      scf.if %cond3A_198 {
        %dma_wait3A_458 = arith.constant 0 : i32
        %dma_wait3A_459 = arith.constant 0 : i32
        %dma_wait3A_460 = tpu.memref_slice %arg21[%dma_wait3A_458, %dma_wait3A_459] : memref<10000x128xf32, #tpu.memory_space<vmem_shared>> -> memref<10000x128xf32, #tpu.memory_space<vmem_shared>>
        tpu.wait_indirect_dma semaphore(%arg29 : memref<!tpu.dma_semaphore, #tpu.memory_space<semaphore_mem>>) src(%arg15 : memref<80x128xf32, #tpu.memory_space<vmem>>) dst(%dma_wait3A_460 : memref<10000x128xf32, #tpu.memory_space<vmem_shared>>)
        %dma_wait3A_461 = arith.constant 0 : i32
        %dma_wait3A_462 = tpu.memref_slice %arg22[%dma_wait3A_461] : memref<10240xf32, #tpu.memory_space<vmem_shared>> -> memref<10240xf32, #tpu.memory_space<vmem_shared>>
        tpu.wait_indirect_dma semaphore(%arg29 : memref<!tpu.dma_semaphore, #tpu.memory_space<semaphore_mem>>) src(%arg17 : memref<80xf32, #tpu.memory_space<vmem>>) dst(%dma_wait3A_462 : memref<10240xf32, #tpu.memory_space<vmem_shared>>)
      } else {
      }
      %dma_wait3A_199 = arith.constant 0 : i32
      %dma_wait3A_200 = tpu.memref_slice %arg5[%dma_wait3A_199] : memref<640000xi32, #tpu.memory_space<hbm>> -> memref<80xi32, #tpu.memory_space<hbm>>
      %dma_wait3A_201 = arith.constant 0 : i32
      %dma_wait3A_202 = tpu.memref_slice %arg5[%dma_wait3A_201] : memref<640000xi32, #tpu.memory_space<hbm>> -> memref<80xi32, #tpu.memory_space<hbm>>
      tpu.wait_dma2 semaphore(%arg25 : memref<!tpu.dma_semaphore, #tpu.memory_space<semaphore_mem>>) src(%dma_wait3A_202 : memref<80xi32, #tpu.memory_space<hbm>>) dst(%arg11 : memref<80xi32, #tpu.memory_space<vmem>>)
      %dma_wait3A_203 = arith.constant 0 : i32
      %dma_wait3A_204 = tpu.memref_slice %arg5[%dma_wait3A_203] : memref<640000xi32, #tpu.memory_space<hbm>> -> memref<80xi32, #tpu.memory_space<hbm>>
      %dma_wait3A_205 = arith.constant 0 : i32
      %dma_wait3A_206 = tpu.memref_slice %arg5[%dma_wait3A_205] : memref<640000xi32, #tpu.memory_space<hbm>> -> memref<80xi32, #tpu.memory_space<hbm>>
      tpu.wait_dma2 semaphore(%arg25 : memref<!tpu.dma_semaphore, #tpu.memory_space<semaphore_mem>>) src(%dma_wait3A_206 : memref<80xi32, #tpu.memory_space<hbm>>) dst(%arg13 : memref<80xi32, #tpu.memory_space<vmem>>)
      %dma_start3A_207 = arith.constant 0 : i32
      %dma_start3A_208 = arith.constant 0 : i32
      %dma_start3A_209 = tpu.memref_slice %arg2[%dma_start3A_207, %dma_start3A_208] : memref<10000x128xf32, #tpu.memory_space<hbm>> -> memref<10000x128xf32, #tpu.memory_space<hbm>>
      tpu.enqueue_indirect_dma source(%dma_start3A_209 : memref<10000x128xf32, #tpu.memory_space<hbm>>) target(%arg15 : memref<80x128xf32, #tpu.memory_space<vmem>>) offsets(%arg11 : memref<80xi32, #tpu.memory_space<vmem>>) semaphore(%arg27 : memref<!tpu.dma_semaphore, #tpu.memory_space<semaphore_mem>>)
      %get3A_210 = arith.constant 0 : index
      %get3A_211 = tpu.vector_load %arg10[%get3A_210] {strides = array<i32>} : memref<80xi32, #tpu.memory_space<vmem>>, vector<16xi32>,
      %get3A_212 = arith.constant 0 : index
      %get3A_213 = tpu.vector_load %arg12[%get3A_212] {strides = array<i32>} : memref<80xi32, #tpu.memory_space<vmem>>, vector<16xi32>,
      %gather3A_214 = tpu.vector_load_idx %arg8[%get3A_211] : memref<10000xf32, #tpu.memory_space<vmem>>[vector<16xi32>], vector<16xf32>,
      %gather3A_215 = tpu.vector_load_idx %arg9[%get3A_213] : memref<10000xf32, #tpu.memory_space<vmem>>[vector<16xi32>], vector<16xf32>,
      %add3A_216 = arith.addf %gather3A_214, %gather3A_215 : vector<16xf32>
      %gt3A_217 = arith.constant 0.000000e+00 : f32
      %gt3A_218 = vector.broadcast %gt3A_217 : f32 to vector<16xf32>
      %gt3A_219 = arith.cmpf ogt, %add3A_216, %gt3A_218 : vector<16xf32>
      %mul3A_220 = arith.constant 2.000000e-01 : f32
      %mul3A_221 = vector.broadcast %mul3A_220 : f32 to vector<16xf32>
      %mul3A_222 = arith.mulf %mul3A_221, %add3A_216 : vector<16xf32>
      %select_n3A_223 = arith.select %gt3A_219, %add3A_216, %mul3A_222 : vector<16xi1>, vector<16xf32>
      %exp3A_224 = math.exp %select_n3A_223 : vector<16xf32>
      %swap3A_225 = arith.constant 0 : index
      %swap3A_226 = tpu.vector_load %arg16[%swap3A_225] {strides = array<i32>} : memref<80xf32, #tpu.memory_space<vmem>>, vector<16xf32>,
      tpu.vector_store %arg16[%swap3A_225], %exp3A_224 {strides = array<i32>} : memref<80xf32, #tpu.memory_space<vmem>>, vector<16xf32>,
      %swap3A_227 = arith.constant 0 : index
      %swap3A_228 = tpu.vector_load %arg18[%swap3A_227] {strides = array<i32>} : memref<80xi32, #tpu.memory_space<vmem>>, vector<16xi32>,
      tpu.vector_store %arg18[%swap3A_227], %get3A_213 {strides = array<i32>} : memref<80xi32, #tpu.memory_space<vmem>>, vector<16xi32>,
      %get3A_229 = arith.constant 16 : index
      %get3A_230 = tpu.vector_load %arg10[%get3A_229] {strides = array<i32>} : memref<80xi32, #tpu.memory_space<vmem>>, vector<16xi32>,
      %get3A_231 = arith.constant 16 : index
      %get3A_232 = tpu.vector_load %arg12[%get3A_231] {strides = array<i32>} : memref<80xi32, #tpu.memory_space<vmem>>, vector<16xi32>,
      %gather3A_233 = tpu.vector_load_idx %arg8[%get3A_230] : memref<10000xf32, #tpu.memory_space<vmem>>[vector<16xi32>], vector<16xf32>,
      %gather3A_234 = tpu.vector_load_idx %arg9[%get3A_232] : memref<10000xf32, #tpu.memory_space<vmem>>[vector<16xi32>], vector<16xf32>,
      %add3A_235 = arith.addf %gather3A_233, %gather3A_234 : vector<16xf32>
      %gt3A_236 = arith.constant 0.000000e+00 : f32
      %gt3A_237 = vector.broadcast %gt3A_236 : f32 to vector<16xf32>
      %gt3A_238 = arith.cmpf ogt, %add3A_235, %gt3A_237 : vector<16xf32>
      %mul3A_239 = arith.constant 2.000000e-01 : f32
      %mul3A_240 = vector.broadcast %mul3A_239 : f32 to vector<16xf32>
      %mul3A_241 = arith.mulf %mul3A_240, %add3A_235 : vector<16xf32>
      %select_n3A_242 = arith.select %gt3A_238, %add3A_235, %mul3A_241 : vector<16xi1>, vector<16xf32>
      %exp3A_243 = math.exp %select_n3A_242 : vector<16xf32>
      %swap3A_244 = arith.constant 16 : index
      %swap3A_245 = tpu.vector_load %arg16[%swap3A_244] {strides = array<i32>} : memref<80xf32, #tpu.memory_space<vmem>>, vector<16xf32>,
      tpu.vector_store %arg16[%swap3A_244], %exp3A_243 {strides = array<i32>} : memref<80xf32, #tpu.memory_space<vmem>>, vector<16xf32>,
      %swap3A_246 = arith.constant 16 : index
      %swap3A_247 = tpu.vector_load %arg18[%swap3A_246] {strides = array<i32>} : memref<80xi32, #tpu.memory_space<vmem>>, vector<16xi32>,
      tpu.vector_store %arg18[%swap3A_246], %get3A_232 {strides = array<i32>} : memref<80xi32, #tpu.memory_space<vmem>>, vector<16xi32>,
      %get3A_248 = arith.constant 32 : index
      %get3A_249 = tpu.vector_load %arg10[%get3A_248] {strides = array<i32>} : memref<80xi32, #tpu.memory_space<vmem>>, vector<16xi32>,
      %get3A_250 = arith.constant 32 : index
      %get3A_251 = tpu.vector_load %arg12[%get3A_250] {strides = array<i32>} : memref<80xi32, #tpu.memory_space<vmem>>, vector<16xi32>,
      %gather3A_252 = tpu.vector_load_idx %arg8[%get3A_249] : memref<10000xf32, #tpu.memory_space<vmem>>[vector<16xi32>], vector<16xf32>,
      %gather3A_253 = tpu.vector_load_idx %arg9[%get3A_251] : memref<10000xf32, #tpu.memory_space<vmem>>[vector<16xi32>], vector<16xf32>,
      %add3A_254 = arith.addf %gather3A_252, %gather3A_253 : vector<16xf32>
      %gt3A_255 = arith.constant 0.000000e+00 : f32
      %gt3A_256 = vector.broadcast %gt3A_255 : f32 to vector<16xf32>
      %gt3A_257 = arith.cmpf ogt, %add3A_254, %gt3A_256 : vector<16xf32>
      %mul3A_258 = arith.constant 2.000000e-01 : f32
      %mul3A_259 = vector.broadcast %mul3A_258 : f32 to vector<16xf32>
      %mul3A_260 = arith.mulf %mul3A_259, %add3A_254 : vector<16xf32>
      %select_n3A_261 = arith.select %gt3A_257, %add3A_254, %mul3A_260 : vector<16xi1>, vector<16xf32>
      %exp3A_262 = math.exp %select_n3A_261 : vector<16xf32>
      %swap3A_263 = arith.constant 32 : index
      %swap3A_264 = tpu.vector_load %arg16[%swap3A_263] {strides = array<i32>} : memref<80xf32, #tpu.memory_space<vmem>>, vector<16xf32>,
      tpu.vector_store %arg16[%swap3A_263], %exp3A_262 {strides = array<i32>} : memref<80xf32, #tpu.memory_space<vmem>>, vector<16xf32>,
      %swap3A_265 = arith.constant 32 : index
      %swap3A_266 = tpu.vector_load %arg18[%swap3A_265] {strides = array<i32>} : memref<80xi32, #tpu.memory_space<vmem>>, vector<16xi32>,
      tpu.vector_store %arg18[%swap3A_265], %get3A_251 {strides = array<i32>} : memref<80xi32, #tpu.memory_space<vmem>>, vector<16xi32>,
      %get3A_267 = arith.constant 48 : index
      %get3A_268 = tpu.vector_load %arg10[%get3A_267] {strides = array<i32>} : memref<80xi32, #tpu.memory_space<vmem>>, vector<16xi32>,
      %get3A_269 = arith.constant 48 : index
      %get3A_270 = tpu.vector_load %arg12[%get3A_269] {strides = array<i32>} : memref<80xi32, #tpu.memory_space<vmem>>, vector<16xi32>,
      %gather3A_271 = tpu.vector_load_idx %arg8[%get3A_268] : memref<10000xf32, #tpu.memory_space<vmem>>[vector<16xi32>], vector<16xf32>,
      %gather3A_272 = tpu.vector_load_idx %arg9[%get3A_270] : memref<10000xf32, #tpu.memory_space<vmem>>[vector<16xi32>], vector<16xf32>,
      %add3A_273 = arith.addf %gather3A_271, %gather3A_272 : vector<16xf32>
      %gt3A_274 = arith.constant 0.000000e+00 : f32
      %gt3A_275 = vector.broadcast %gt3A_274 : f32 to vector<16xf32>
      %gt3A_276 = arith.cmpf ogt, %add3A_273, %gt3A_275 : vector<16xf32>
      %mul3A_277 = arith.constant 2.000000e-01 : f32
      %mul3A_278 = vector.broadcast %mul3A_277 : f32 to vector<16xf32>
      %mul3A_279 = arith.mulf %mul3A_278, %add3A_273 : vector<16xf32>
      %select_n3A_280 = arith.select %gt3A_276, %add3A_273, %mul3A_279 : vector<16xi1>, vector<16xf32>
      %exp3A_281 = math.exp %select_n3A_280 : vector<16xf32>
      %swap3A_282 = arith.constant 48 : index
      %swap3A_283 = tpu.vector_load %arg16[%swap3A_282] {strides = array<i32>} : memref<80xf32, #tpu.memory_space<vmem>>, vector<16xf32>,
      tpu.vector_store %arg16[%swap3A_282], %exp3A_281 {strides = array<i32>} : memref<80xf32, #tpu.memory_space<vmem>>, vector<16xf32>,
      %swap3A_284 = arith.constant 48 : index
      %swap3A_285 = tpu.vector_load %arg18[%swap3A_284] {strides = array<i32>} : memref<80xi32, #tpu.memory_space<vmem>>, vector<16xi32>,
      tpu.vector_store %arg18[%swap3A_284], %get3A_270 {strides = array<i32>} : memref<80xi32, #tpu.memory_space<vmem>>, vector<16xi32>,
      %get3A_286 = arith.constant 64 : index
      %get3A_287 = tpu.vector_load %arg10[%get3A_286] {strides = array<i32>} : memref<80xi32, #tpu.memory_space<vmem>>, vector<16xi32>,
      %get3A_288 = arith.constant 64 : index
      %get3A_289 = tpu.vector_load %arg12[%get3A_288] {strides = array<i32>} : memref<80xi32, #tpu.memory_space<vmem>>, vector<16xi32>,
      %gather3A_290 = tpu.vector_load_idx %arg8[%get3A_287] : memref<10000xf32, #tpu.memory_space<vmem>>[vector<16xi32>], vector<16xf32>,
      %gather3A_291 = tpu.vector_load_idx %arg9[%get3A_289] : memref<10000xf32, #tpu.memory_space<vmem>>[vector<16xi32>], vector<16xf32>,
      %add3A_292 = arith.addf %gather3A_290, %gather3A_291 : vector<16xf32>
      %gt3A_293 = arith.constant 0.000000e+00 : f32
      %gt3A_294 = vector.broadcast %gt3A_293 : f32 to vector<16xf32>
      %gt3A_295 = arith.cmpf ogt, %add3A_292, %gt3A_294 : vector<16xf32>
      %mul3A_296 = arith.constant 2.000000e-01 : f32
      %mul3A_297 = vector.broadcast %mul3A_296 : f32 to vector<16xf32>
      %mul3A_298 = arith.mulf %mul3A_297, %add3A_292 : vector<16xf32>
      %select_n3A_299 = arith.select %gt3A_295, %add3A_292, %mul3A_298 : vector<16xi1>, vector<16xf32>
      %exp3A_300 = math.exp %select_n3A_299 : vector<16xf32>
      %swap3A_301 = arith.constant 64 : index
      %swap3A_302 = tpu.vector_load %arg16[%swap3A_301] {strides = array<i32>} : memref<80xf32, #tpu.memory_space<vmem>>, vector<16xf32>,
      tpu.vector_store %arg16[%swap3A_301], %exp3A_300 {strides = array<i32>} : memref<80xf32, #tpu.memory_space<vmem>>, vector<16xf32>,
      %swap3A_303 = arith.constant 64 : index
      %swap3A_304 = tpu.vector_load %arg18[%swap3A_303] {strides = array<i32>} : memref<80xi32, #tpu.memory_space<vmem>>, vector<16xi32>,
      tpu.vector_store %arg18[%swap3A_303], %get3A_289 {strides = array<i32>} : memref<80xi32, #tpu.memory_space<vmem>>, vector<16xi32>,
      %scan3A_305 = arith.constant 0 : i32
      %scan3A_306 = arith.constant 80 : i32
      %scan3A_307 = arith.addi %scan3A_305, %scan3A_306 : i32
      %scan3A_308 = arith.constant 1 : i32
      scf.for %scan3A_458 = %scan3A_305 to %scan3A_307 step %scan3A_308  : i32 {
        %mul3A_459 = arith.constant 1 : i32
        %mul3A_460 = arith.muli %scan3A_458, %mul3A_459 : i32
        %add3A_461 = arith.constant 0 : i32
        %add3A_462 = arith.addi %add3A_461, %mul3A_460 : i32
        %broadcast_in_dim3A_463 = vector.broadcast %add3A_462 : i32 to vector<16xi32>
        %gather3A_464 = tpu.vector_load_idx %arg16[%broadcast_in_dim3A_463] : memref<80xf32, #tpu.memory_space<vmem>>[vector<16xi32>], vector<16xf32>,
        %get3A_465 = arith.index_cast %add3A_462 : i32 to index
        %get3A_466 = arith.constant 0 : index
        %get3A_467 = tpu.vector_load %arg14[%get3A_465, %get3A_466] {strides = array<i32>} : memref<80x128xf32, #tpu.memory_space<vmem>>, vector<16xf32>,
        %mul3A_468 = arith.mulf %get3A_467, %gather3A_464 : vector<16xf32>
        %swap3A_469 = arith.index_cast %add3A_462 : i32 to index
        %swap3A_470 = arith.constant 0 : index
        %swap3A_471 = tpu.vector_load %arg14[%swap3A_469, %swap3A_470] {strides = array<i32>} : memref<80x128xf32, #tpu.memory_space<vmem>>, vector<16xf32>,
        tpu.vector_store %arg14[%swap3A_469, %swap3A_470], %mul3A_468 {strides = array<i32>} : memref<80x128xf32, #tpu.memory_space<vmem>>, vector<16xf32>,
        %get3A_472 = arith.index_cast %add3A_462 : i32 to index
        %get3A_473 = arith.constant 16 : index
        %get3A_474 = tpu.vector_load %arg14[%get3A_472, %get3A_473] {strides = array<i32>} : memref<80x128xf32, #tpu.memory_space<vmem>>, vector<16xf32>,
        %mul3A_475 = arith.mulf %get3A_474, %gather3A_464 : vector<16xf32>
        %swap3A_476 = arith.index_cast %add3A_462 : i32 to index
        %swap3A_477 = arith.constant 16 : index
        %swap3A_478 = tpu.vector_load %arg14[%swap3A_476, %swap3A_477] {strides = array<i32>} : memref<80x128xf32, #tpu.memory_space<vmem>>, vector<16xf32>,
        tpu.vector_store %arg14[%swap3A_476, %swap3A_477], %mul3A_475 {strides = array<i32>} : memref<80x128xf32, #tpu.memory_space<vmem>>, vector<16xf32>,
        %get3A_479 = arith.index_cast %add3A_462 : i32 to index
        %get3A_480 = arith.constant 32 : index
        %get3A_481 = tpu.vector_load %arg14[%get3A_479, %get3A_480] {strides = array<i32>} : memref<80x128xf32, #tpu.memory_space<vmem>>, vector<16xf32>,
        %mul3A_482 = arith.mulf %get3A_481, %gather3A_464 : vector<16xf32>
        %swap3A_483 = arith.index_cast %add3A_462 : i32 to index
        %swap3A_484 = arith.constant 32 : index
        %swap3A_485 = tpu.vector_load %arg14[%swap3A_483, %swap3A_484] {strides = array<i32>} : memref<80x128xf32, #tpu.memory_space<vmem>>, vector<16xf32>,
        tpu.vector_store %arg14[%swap3A_483, %swap3A_484], %mul3A_482 {strides = array<i32>} : memref<80x128xf32, #tpu.memory_space<vmem>>, vector<16xf32>,
        %get3A_486 = arith.index_cast %add3A_462 : i32 to index
        %get3A_487 = arith.constant 48 : index
        %get3A_488 = tpu.vector_load %arg14[%get3A_486, %get3A_487] {strides = array<i32>} : memref<80x128xf32, #tpu.memory_space<vmem>>, vector<16xf32>,
        %mul3A_489 = arith.mulf %get3A_488, %gather3A_464 : vector<16xf32>
        %swap3A_490 = arith.index_cast %add3A_462 : i32 to index
        %swap3A_491 = arith.constant 48 : index
        %swap3A_492 = tpu.vector_load %arg14[%swap3A_490, %swap3A_491] {strides = array<i32>} : memref<80x128xf32, #tpu.memory_space<vmem>>, vector<16xf32>,
        tpu.vector_store %arg14[%swap3A_490, %swap3A_491], %mul3A_489 {strides = array<i32>} : memref<80x128xf32, #tpu.memory_space<vmem>>, vector<16xf32>,
        %get3A_493 = arith.index_cast %add3A_462 : i32 to index
        %get3A_494 = arith.constant 64 : index
        %get3A_495 = tpu.vector_load %arg14[%get3A_493, %get3A_494] {strides = array<i32>} : memref<80x128xf32, #tpu.memory_space<vmem>>, vector<16xf32>,
        %mul3A_496 = arith.mulf %get3A_495, %gather3A_464 : vector<16xf32>
        %swap3A_497 = arith.index_cast %add3A_462 : i32 to index
        %swap3A_498 = arith.constant 64 : index
        %swap3A_499 = tpu.vector_load %arg14[%swap3A_497, %swap3A_498] {strides = array<i32>} : memref<80x128xf32, #tpu.memory_space<vmem>>, vector<16xf32>,
        tpu.vector_store %arg14[%swap3A_497, %swap3A_498], %mul3A_496 {strides = array<i32>} : memref<80x128xf32, #tpu.memory_space<vmem>>, vector<16xf32>,
        %get3A_500 = arith.index_cast %add3A_462 : i32 to index
        %get3A_501 = arith.constant 80 : index
        %get3A_502 = tpu.vector_load %arg14[%get3A_500, %get3A_501] {strides = array<i32>} : memref<80x128xf32, #tpu.memory_space<vmem>>, vector<16xf32>,
        %mul3A_503 = arith.mulf %get3A_502, %gather3A_464 : vector<16xf32>
        %swap3A_504 = arith.index_cast %add3A_462 : i32 to index
        %swap3A_505 = arith.constant 80 : index
        %swap3A_506 = tpu.vector_load %arg14[%swap3A_504, %swap3A_505] {strides = array<i32>} : memref<80x128xf32, #tpu.memory_space<vmem>>, vector<16xf32>,
        tpu.vector_store %arg14[%swap3A_504, %swap3A_505], %mul3A_503 {strides = array<i32>} : memref<80x128xf32, #tpu.memory_space<vmem>>, vector<16xf32>,
        %get3A_507 = arith.index_cast %add3A_462 : i32 to index
        %get3A_508 = arith.constant 96 : index
        %get3A_509 = tpu.vector_load %arg14[%get3A_507, %get3A_508] {strides = array<i32>} : memref<80x128xf32, #tpu.memory_space<vmem>>, vector<16xf32>,
        %mul3A_510 = arith.mulf %get3A_509, %gather3A_464 : vector<16xf32>
        %swap3A_511 = arith.index_cast %add3A_462 : i32 to index
        %swap3A_512 = arith.constant 96 : index
        %swap3A_513 = tpu.vector_load %arg14[%swap3A_511, %swap3A_512] {strides = array<i32>} : memref<80x128xf32, #tpu.memory_space<vmem>>, vector<16xf32>,
        tpu.vector_store %arg14[%swap3A_511, %swap3A_512], %mul3A_510 {strides = array<i32>} : memref<80x128xf32, #tpu.memory_space<vmem>>, vector<16xf32>,
        %get3A_514 = arith.index_cast %add3A_462 : i32 to index
        %get3A_515 = arith.constant 112 : index
        %get3A_516 = tpu.vector_load %arg14[%get3A_514, %get3A_515] {strides = array<i32>} : memref<80x128xf32, #tpu.memory_space<vmem>>, vector<16xf32>,
        %mul3A_517 = arith.mulf %get3A_516, %gather3A_464 : vector<16xf32>
        %swap3A_518 = arith.index_cast %add3A_462 : i32 to index
        %swap3A_519 = arith.constant 112 : index
        %swap3A_520 = tpu.vector_load %arg14[%swap3A_518, %swap3A_519] {strides = array<i32>} : memref<80x128xf32, #tpu.memory_space<vmem>>, vector<16xf32>,
        tpu.vector_store %arg14[%swap3A_518, %swap3A_519], %mul3A_517 {strides = array<i32>} : memref<80x128xf32, #tpu.memory_space<vmem>>, vector<16xf32>,
      }
      %scan3A_309 = arith.constant 80 : i32
      %add3A_310 = arith.constant 2 : i32
      %add3A_311 = arith.addi %add3A_188, %add3A_310 : i32
      %lt3A = arith.constant 125 : i32
      %lt3A_312 = arith.cmpi slt, %add3A_311, %lt3A : i32
      %convert_element_type3A_313 = arith.extui %lt3A_312 : i1 to i32
      %cond3A_314 = arith.constant 0 : i32
      %cond3A_315 = arith.cmpi ne, %convert_element_type3A_313, %cond3A_314 : i32
      scf.if %cond3A_315 {
        %add3A_458 = arith.constant 2 : i32
        %add3A_459 = arith.addi %add3A_188, %add3A_458 : i32
        %mul3A_460 = arith.constant 80 : i32
        %mul3A_461 = arith.muli %add3A_459, %mul3A_460 : i32
        %add3A_462 = arith.addi %multiple_of3A, %mul3A_461 : i32
        %multiple_of3A_463 = tpu.assume_multiple %add3A_462, 8 : i32
        %dma_start3A_464 = tpu.memref_slice %arg5[%multiple_of3A_463] : memref<640000xi32, #tpu.memory_space<hbm>> -> memref<80xi32, #tpu.memory_space<hbm>>
        %dma_start3A_465 = tpu.memref_slice %arg5[%multiple_of3A_463] : memref<640000xi32, #tpu.memory_space<hbm>> -> memref<80xi32, #tpu.memory_space<hbm>>
        tpu.enqueue_dma source(%dma_start3A_465 : memref<80xi32, #tpu.memory_space<hbm>>) target(%arg10 : memref<80xi32, #tpu.memory_space<vmem>>) target_semaphore(%arg24 : memref<!tpu.dma_semaphore, #tpu.memory_space<semaphore_mem>>)
        %add3A_466 = arith.constant 320000 : i32
        %add3A_467 = arith.addi %add3A_466, %multiple_of3A_463 : i32
        %dma_start3A_468 = tpu.memref_slice %arg5[%add3A_467] : memref<640000xi32, #tpu.memory_space<hbm>> -> memref<80xi32, #tpu.memory_space<hbm>>
        %dma_start3A_469 = tpu.memref_slice %arg5[%add3A_467] : memref<640000xi32, #tpu.memory_space<hbm>> -> memref<80xi32, #tpu.memory_space<hbm>>
        tpu.enqueue_dma source(%dma_start3A_469 : memref<80xi32, #tpu.memory_space<hbm>>) target(%arg12 : memref<80xi32, #tpu.memory_space<vmem>>) target_semaphore(%arg24 : memref<!tpu.dma_semaphore, #tpu.memory_space<semaphore_mem>>)
      } else {
      }
      %dma_start3A_316 = arith.constant 0 : i32
      %dma_start3A_317 = arith.constant 0 : i32
      %dma_start3A_318 = tpu.memref_slice %arg21[%dma_start3A_316, %dma_start3A_317] : memref<10000x128xf32, #tpu.memory_space<vmem_shared>> -> memref<10000x128xf32, #tpu.memory_space<vmem_shared>>
      tpu.enqueue_indirect_dma source(%arg14 : memref<80x128xf32, #tpu.memory_space<vmem>>) target(%dma_start3A_318 : memref<10000x128xf32, #tpu.memory_space<vmem_shared>>) offsets(%arg18 : memref<80xi32, #tpu.memory_space<vmem>>) semaphore(%arg28 : memref<!tpu.dma_semaphore, #tpu.memory_space<semaphore_mem>>) {add = true}
      %dma_start3A_319 = arith.constant 0 : i32
      %dma_start3A_320 = tpu.memref_slice %arg22[%dma_start3A_319] : memref<10240xf32, #tpu.memory_space<vmem_shared>> -> memref<10240xf32, #tpu.memory_space<vmem_shared>>
      tpu.enqueue_indirect_dma source(%arg16 : memref<80xf32, #tpu.memory_space<vmem>>) target(%dma_start3A_320 : memref<10240xf32, #tpu.memory_space<vmem_shared>>) offsets(%arg18 : memref<80xi32, #tpu.memory_space<vmem>>) semaphore(%arg28 : memref<!tpu.dma_semaphore, #tpu.memory_space<semaphore_mem>>) {add = true}
      %mul3A_321 = arith.constant 2 : i32
      %mul3A_322 = arith.muli %mul3A_321, %add3A_184 : i32
      %add3A_323 = arith.constant 1 : i32
      %add3A_324 = arith.addi %mul3A_322, %add3A_323 : i32
      %dma_wait3A_325 = arith.constant 0 : i32
      %dma_wait3A_326 = arith.constant 0 : i32
      %dma_wait3A_327 = tpu.memref_slice %arg2[%dma_wait3A_325, %dma_wait3A_326] : memref<10000x128xf32, #tpu.memory_space<hbm>> -> memref<10000x128xf32, #tpu.memory_space<hbm>>
      tpu.wait_indirect_dma semaphore(%arg27 : memref<!tpu.dma_semaphore, #tpu.memory_space<semaphore_mem>>) src(%dma_wait3A_327 : memref<10000x128xf32, #tpu.memory_space<hbm>>) dst(%arg15 : memref<80x128xf32, #tpu.memory_space<vmem>>)
      %add3A_328 = arith.constant 1 : i32
      %add3A_329 = arith.addi %add3A_184, %add3A_328 : i32
      %gt3A_330 = arith.constant 0 : i32
      %gt3A_331 = arith.cmpi sgt, %add3A_329, %gt3A_330 : i32
      %convert_element_type3A_332 = arith.extui %gt3A_331 : i1 to i32
      %cond3A_333 = arith.constant 0 : i32
      %cond3A_334 = arith.cmpi ne, %convert_element_type3A_332, %cond3A_333 : i32
      scf.if %cond3A_334 {
        %dma_wait3A_458 = arith.constant 0 : i32
        %dma_wait3A_459 = arith.constant 0 : i32
        %dma_wait3A_460 = tpu.memref_slice %arg21[%dma_wait3A_458, %dma_wait3A_459] : memref<10000x128xf32, #tpu.memory_space<vmem_shared>> -> memref<10000x128xf32, #tpu.memory_space<vmem_shared>>
        tpu.wait_indirect_dma semaphore(%arg28 : memref<!tpu.dma_semaphore, #tpu.memory_space<semaphore_mem>>) src(%arg14 : memref<80x128xf32, #tpu.memory_space<vmem>>) dst(%dma_wait3A_460 : memref<10000x128xf32, #tpu.memory_space<vmem_shared>>)
        %dma_wait3A_461 = arith.constant 0 : i32
        %dma_wait3A_462 = tpu.memref_slice %arg22[%dma_wait3A_461] : memref<10240xf32, #tpu.memory_space<vmem_shared>> -> memref<10240xf32, #tpu.memory_space<vmem_shared>>
        tpu.wait_indirect_dma semaphore(%arg28 : memref<!tpu.dma_semaphore, #tpu.memory_space<semaphore_mem>>) src(%arg16 : memref<80xf32, #tpu.memory_space<vmem>>) dst(%dma_wait3A_462 : memref<10240xf32, #tpu.memory_space<vmem_shared>>)
      } else {
      }
      %dma_wait3A_335 = arith.constant 0 : i32
      %dma_wait3A_336 = tpu.memref_slice %arg5[%dma_wait3A_335] : memref<640000xi32, #tpu.memory_space<hbm>> -> memref<80xi32, #tpu.memory_space<hbm>>
      %dma_wait3A_337 = arith.constant 0 : i32
      %dma_wait3A_338 = tpu.memref_slice %arg5[%dma_wait3A_337] : memref<640000xi32, #tpu.memory_space<hbm>> -> memref<80xi32, #tpu.memory_space<hbm>>
      tpu.wait_dma2 semaphore(%arg24 : memref<!tpu.dma_semaphore, #tpu.memory_space<semaphore_mem>>) src(%dma_wait3A_338 : memref<80xi32, #tpu.memory_space<hbm>>) dst(%arg10 : memref<80xi32, #tpu.memory_space<vmem>>)
      %dma_wait3A_339 = arith.constant 0 : i32
      %dma_wait3A_340 = tpu.memref_slice %arg5[%dma_wait3A_339] : memref<640000xi32, #tpu.memory_space<hbm>> -> memref<80xi32, #tpu.memory_space<hbm>>
      %dma_wait3A_341 = arith.constant 0 : i32
      %dma_wait3A_342 = tpu.memref_slice %arg5[%dma_wait3A_341] : memref<640000xi32, #tpu.memory_space<hbm>> -> memref<80xi32, #tpu.memory_space<hbm>>
      tpu.wait_dma2 semaphore(%arg24 : memref<!tpu.dma_semaphore, #tpu.memory_space<semaphore_mem>>) src(%dma_wait3A_342 : memref<80xi32, #tpu.memory_space<hbm>>) dst(%arg12 : memref<80xi32, #tpu.memory_space<vmem>>)
      %dma_start3A_343 = arith.constant 0 : i32
      %dma_start3A_344 = arith.constant 0 : i32
      %dma_start3A_345 = tpu.memref_slice %arg2[%dma_start3A_343, %dma_start3A_344] : memref<10000x128xf32, #tpu.memory_space<hbm>> -> memref<10000x128xf32, #tpu.memory_space<hbm>>
      tpu.enqueue_indirect_dma source(%dma_start3A_345 : memref<10000x128xf32, #tpu.memory_space<hbm>>) target(%arg14 : memref<80x128xf32, #tpu.memory_space<vmem>>) offsets(%arg10 : memref<80xi32, #tpu.memory_space<vmem>>) semaphore(%arg26 : memref<!tpu.dma_semaphore, #tpu.memory_space<semaphore_mem>>)
      %get3A_346 = arith.constant 0 : index
      %get3A_347 = tpu.vector_load %arg11[%get3A_346] {strides = array<i32>} : memref<80xi32, #tpu.memory_space<vmem>>, vector<16xi32>,
      %get3A_348 = arith.constant 0 : index
      %get3A_349 = tpu.vector_load %arg13[%get3A_348] {strides = array<i32>} : memref<80xi32, #tpu.memory_space<vmem>>, vector<16xi32>,
      %gather3A_350 = tpu.vector_load_idx %arg8[%get3A_347] : memref<10000xf32, #tpu.memory_space<vmem>>[vector<16xi32>], vector<16xf32>,
      %gather3A_351 = tpu.vector_load_idx %arg9[%get3A_349] : memref<10000xf32, #tpu.memory_space<vmem>>[vector<16xi32>], vector<16xf32>,
      %add3A_352 = arith.addf %gather3A_350, %gather3A_351 : vector<16xf32>
      %gt3A_353 = arith.constant 0.000000e+00 : f32
      %gt3A_354 = vector.broadcast %gt3A_353 : f32 to vector<16xf32>
      %gt3A_355 = arith.cmpf ogt, %add3A_352, %gt3A_354 : vector<16xf32>
      %mul3A_356 = arith.constant 2.000000e-01 : f32
      %mul3A_357 = vector.broadcast %mul3A_356 : f32 to vector<16xf32>
      %mul3A_358 = arith.mulf %mul3A_357, %add3A_352 : vector<16xf32>
      %select_n3A_359 = arith.select %gt3A_355, %add3A_352, %mul3A_358 : vector<16xi1>, vector<16xf32>
      %exp3A_360 = math.exp %select_n3A_359 : vector<16xf32>
      %swap3A_361 = arith.constant 0 : index
      %swap3A_362 = tpu.vector_load %arg17[%swap3A_361] {strides = array<i32>} : memref<80xf32, #tpu.memory_space<vmem>>, vector<16xf32>,
      tpu.vector_store %arg17[%swap3A_361], %exp3A_360 {strides = array<i32>} : memref<80xf32, #tpu.memory_space<vmem>>, vector<16xf32>,
      %swap3A_363 = arith.constant 0 : index
      %swap3A_364 = tpu.vector_load %arg19[%swap3A_363] {strides = array<i32>} : memref<80xi32, #tpu.memory_space<vmem>>, vector<16xi32>,
      tpu.vector_store %arg19[%swap3A_363], %get3A_349 {strides = array<i32>} : memref<80xi32, #tpu.memory_space<vmem>>, vector<16xi32>,
      %get3A_365 = arith.constant 16 : index
      %get3A_366 = tpu.vector_load %arg11[%get3A_365] {strides = array<i32>} : memref<80xi32, #tpu.memory_space<vmem>>, vector<16xi32>,
      %get3A_367 = arith.constant 16 : index
      %get3A_368 = tpu.vector_load %arg13[%get3A_367] {strides = array<i32>} : memref<80xi32, #tpu.memory_space<vmem>>, vector<16xi32>,
      %gather3A_369 = tpu.vector_load_idx %arg8[%get3A_366] : memref<10000xf32, #tpu.memory_space<vmem>>[vector<16xi32>], vector<16xf32>,
      %gather3A_370 = tpu.vector_load_idx %arg9[%get3A_368] : memref<10000xf32, #tpu.memory_space<vmem>>[vector<16xi32>], vector<16xf32>,
      %add3A_371 = arith.addf %gather3A_369, %gather3A_370 : vector<16xf32>
      %gt3A_372 = arith.constant 0.000000e+00 : f32
      %gt3A_373 = vector.broadcast %gt3A_372 : f32 to vector<16xf32>
      %gt3A_374 = arith.cmpf ogt, %add3A_371, %gt3A_373 : vector<16xf32>
      %mul3A_375 = arith.constant 2.000000e-01 : f32
      %mul3A_376 = vector.broadcast %mul3A_375 : f32 to vector<16xf32>
      %mul3A_377 = arith.mulf %mul3A_376, %add3A_371 : vector<16xf32>
      %select_n3A_378 = arith.select %gt3A_374, %add3A_371, %mul3A_377 : vector<16xi1>, vector<16xf32>
      %exp3A_379 = math.exp %select_n3A_378 : vector<16xf32>
      %swap3A_380 = arith.constant 16 : index
      %swap3A_381 = tpu.vector_load %arg17[%swap3A_380] {strides = array<i32>} : memref<80xf32, #tpu.memory_space<vmem>>, vector<16xf32>,
      tpu.vector_store %arg17[%swap3A_380], %exp3A_379 {strides = array<i32>} : memref<80xf32, #tpu.memory_space<vmem>>, vector<16xf32>,
      %swap3A_382 = arith.constant 16 : index
      %swap3A_383 = tpu.vector_load %arg19[%swap3A_382] {strides = array<i32>} : memref<80xi32, #tpu.memory_space<vmem>>, vector<16xi32>,
      tpu.vector_store %arg19[%swap3A_382], %get3A_368 {strides = array<i32>} : memref<80xi32, #tpu.memory_space<vmem>>, vector<16xi32>,
      %get3A_384 = arith.constant 32 : index
      %get3A_385 = tpu.vector_load %arg11[%get3A_384] {strides = array<i32>} : memref<80xi32, #tpu.memory_space<vmem>>, vector<16xi32>,
      %get3A_386 = arith.constant 32 : index
      %get3A_387 = tpu.vector_load %arg13[%get3A_386] {strides = array<i32>} : memref<80xi32, #tpu.memory_space<vmem>>, vector<16xi32>,
      %gather3A_388 = tpu.vector_load_idx %arg8[%get3A_385] : memref<10000xf32, #tpu.memory_space<vmem>>[vector<16xi32>], vector<16xf32>,
      %gather3A_389 = tpu.vector_load_idx %arg9[%get3A_387] : memref<10000xf32, #tpu.memory_space<vmem>>[vector<16xi32>], vector<16xf32>,
      %add3A_390 = arith.addf %gather3A_388, %gather3A_389 : vector<16xf32>
      %gt3A_391 = arith.constant 0.000000e+00 : f32
      %gt3A_392 = vector.broadcast %gt3A_391 : f32 to vector<16xf32>
      %gt3A_393 = arith.cmpf ogt, %add3A_390, %gt3A_392 : vector<16xf32>
      %mul3A_394 = arith.constant 2.000000e-01 : f32
      %mul3A_395 = vector.broadcast %mul3A_394 : f32 to vector<16xf32>
      %mul3A_396 = arith.mulf %mul3A_395, %add3A_390 : vector<16xf32>
      %select_n3A_397 = arith.select %gt3A_393, %add3A_390, %mul3A_396 : vector<16xi1>, vector<16xf32>
      %exp3A_398 = math.exp %select_n3A_397 : vector<16xf32>
      %swap3A_399 = arith.constant 32 : index
      %swap3A_400 = tpu.vector_load %arg17[%swap3A_399] {strides = array<i32>} : memref<80xf32, #tpu.memory_space<vmem>>, vector<16xf32>,
      tpu.vector_store %arg17[%swap3A_399], %exp3A_398 {strides = array<i32>} : memref<80xf32, #tpu.memory_space<vmem>>, vector<16xf32>,
      %swap3A_401 = arith.constant 32 : index
      %swap3A_402 = tpu.vector_load %arg19[%swap3A_401] {strides = array<i32>} : memref<80xi32, #tpu.memory_space<vmem>>, vector<16xi32>,
      tpu.vector_store %arg19[%swap3A_401], %get3A_387 {strides = array<i32>} : memref<80xi32, #tpu.memory_space<vmem>>, vector<16xi32>,
      %get3A_403 = arith.constant 48 : index
      %get3A_404 = tpu.vector_load %arg11[%get3A_403] {strides = array<i32>} : memref<80xi32, #tpu.memory_space<vmem>>, vector<16xi32>,
      %get3A_405 = arith.constant 48 : index
      %get3A_406 = tpu.vector_load %arg13[%get3A_405] {strides = array<i32>} : memref<80xi32, #tpu.memory_space<vmem>>, vector<16xi32>,
      %gather3A_407 = tpu.vector_load_idx %arg8[%get3A_404] : memref<10000xf32, #tpu.memory_space<vmem>>[vector<16xi32>], vector<16xf32>,
      %gather3A_408 = tpu.vector_load_idx %arg9[%get3A_406] : memref<10000xf32, #tpu.memory_space<vmem>>[vector<16xi32>], vector<16xf32>,
      %add3A_409 = arith.addf %gather3A_407, %gather3A_408 : vector<16xf32>
      %gt3A_410 = arith.constant 0.000000e+00 : f32
      %gt3A_411 = vector.broadcast %gt3A_410 : f32 to vector<16xf32>
      %gt3A_412 = arith.cmpf ogt, %add3A_409, %gt3A_411 : vector<16xf32>
      %mul3A_413 = arith.constant 2.000000e-01 : f32
      %mul3A_414 = vector.broadcast %mul3A_413 : f32 to vector<16xf32>
      %mul3A_415 = arith.mulf %mul3A_414, %add3A_409 : vector<16xf32>
      %select_n3A_416 = arith.select %gt3A_412, %add3A_409, %mul3A_415 : vector<16xi1>, vector<16xf32>
      %exp3A_417 = math.exp %select_n3A_416 : vector<16xf32>
      %swap3A_418 = arith.constant 48 : index
      %swap3A_419 = tpu.vector_load %arg17[%swap3A_418] {strides = array<i32>} : memref<80xf32, #tpu.memory_space<vmem>>, vector<16xf32>,
      tpu.vector_store %arg17[%swap3A_418], %exp3A_417 {strides = array<i32>} : memref<80xf32, #tpu.memory_space<vmem>>, vector<16xf32>,
      %swap3A_420 = arith.constant 48 : index
      %swap3A_421 = tpu.vector_load %arg19[%swap3A_420] {strides = array<i32>} : memref<80xi32, #tpu.memory_space<vmem>>, vector<16xi32>,
      tpu.vector_store %arg19[%swap3A_420], %get3A_406 {strides = array<i32>} : memref<80xi32, #tpu.memory_space<vmem>>, vector<16xi32>,
      %get3A_422 = arith.constant 64 : index
      %get3A_423 = tpu.vector_load %arg11[%get3A_422] {strides = array<i32>} : memref<80xi32, #tpu.memory_space<vmem>>, vector<16xi32>,
      %get3A_424 = arith.constant 64 : index
      %get3A_425 = tpu.vector_load %arg13[%get3A_424] {strides = array<i32>} : memref<80xi32, #tpu.memory_space<vmem>>, vector<16xi32>,
      %gather3A_426 = tpu.vector_load_idx %arg8[%get3A_423] : memref<10000xf32, #tpu.memory_space<vmem>>[vector<16xi32>], vector<16xf32>,
      %gather3A_427 = tpu.vector_load_idx %arg9[%get3A_425] : memref<10000xf32, #tpu.memory_space<vmem>>[vector<16xi32>], vector<16xf32>,
      %add3A_428 = arith.addf %gather3A_426, %gather3A_427 : vector<16xf32>
      %gt3A_429 = arith.constant 0.000000e+00 : f32
      %gt3A_430 = vector.broadcast %gt3A_429 : f32 to vector<16xf32>
      %gt3A_431 = arith.cmpf ogt, %add3A_428, %gt3A_430 : vector<16xf32>
      %mul3A_432 = arith.constant 2.000000e-01 : f32
      %mul3A_433 = vector.broadcast %mul3A_432 : f32 to vector<16xf32>
      %mul3A_434 = arith.mulf %mul3A_433, %add3A_428 : vector<16xf32>
      %select_n3A_435 = arith.select %gt3A_431, %add3A_428, %mul3A_434 : vector<16xi1>, vector<16xf32>
      %exp3A_436 = math.exp %select_n3A_435 : vector<16xf32>
      %swap3A_437 = arith.constant 64 : index
      %swap3A_438 = tpu.vector_load %arg17[%swap3A_437] {strides = array<i32>} : memref<80xf32, #tpu.memory_space<vmem>>, vector<16xf32>,
      tpu.vector_store %arg17[%swap3A_437], %exp3A_436 {strides = array<i32>} : memref<80xf32, #tpu.memory_space<vmem>>, vector<16xf32>,
      %swap3A_439 = arith.constant 64 : index
      %swap3A_440 = tpu.vector_load %arg19[%swap3A_439] {strides = array<i32>} : memref<80xi32, #tpu.memory_space<vmem>>, vector<16xi32>,
      tpu.vector_store %arg19[%swap3A_439], %get3A_425 {strides = array<i32>} : memref<80xi32, #tpu.memory_space<vmem>>, vector<16xi32>,
      %scan3A_441 = arith.constant 0 : i32
      %scan3A_442 = arith.constant 80 : i32
      %scan3A_443 = arith.addi %scan3A_441, %scan3A_442 : i32
      %scan3A_444 = arith.constant 1 : i32
      scf.for %scan3A_458 = %scan3A_441 to %scan3A_443 step %scan3A_444  : i32 {
        %mul3A_459 = arith.constant 1 : i32
        %mul3A_460 = arith.muli %scan3A_458, %mul3A_459 : i32
        %add3A_461 = arith.constant 0 : i32
        %add3A_462 = arith.addi %add3A_461, %mul3A_460 : i32
        %broadcast_in_dim3A_463 = vector.broadcast %add3A_462 : i32 to vector<16xi32>
        %gather3A_464 = tpu.vector_load_idx %arg17[%broadcast_in_dim3A_463] : memref<80xf32, #tpu.memory_space<vmem>>[vector<16xi32>], vector<16xf32>,
        %get3A_465 = arith.index_cast %add3A_462 : i32 to index
        %get3A_466 = arith.constant 0 : index
        %get3A_467 = tpu.vector_load %arg15[%get3A_465, %get3A_466] {strides = array<i32>} : memref<80x128xf32, #tpu.memory_space<vmem>>, vector<16xf32>,
        %mul3A_468 = arith.mulf %get3A_467, %gather3A_464 : vector<16xf32>
        %swap3A_469 = arith.index_cast %add3A_462 : i32 to index
        %swap3A_470 = arith.constant 0 : index
        %swap3A_471 = tpu.vector_load %arg15[%swap3A_469, %swap3A_470] {strides = array<i32>} : memref<80x128xf32, #tpu.memory_space<vmem>>, vector<16xf32>,
        tpu.vector_store %arg15[%swap3A_469, %swap3A_470], %mul3A_468 {strides = array<i32>} : memref<80x128xf32, #tpu.memory_space<vmem>>, vector<16xf32>,
        %get3A_472 = arith.index_cast %add3A_462 : i32 to index
        %get3A_473 = arith.constant 16 : index
        %get3A_474 = tpu.vector_load %arg15[%get3A_472, %get3A_473] {strides = array<i32>} : memref<80x128xf32, #tpu.memory_space<vmem>>, vector<16xf32>,
        %mul3A_475 = arith.mulf %get3A_474, %gather3A_464 : vector<16xf32>
        %swap3A_476 = arith.index_cast %add3A_462 : i32 to index
        %swap3A_477 = arith.constant 16 : index
        %swap3A_478 = tpu.vector_load %arg15[%swap3A_476, %swap3A_477] {strides = array<i32>} : memref<80x128xf32, #tpu.memory_space<vmem>>, vector<16xf32>,
        tpu.vector_store %arg15[%swap3A_476, %swap3A_477], %mul3A_475 {strides = array<i32>} : memref<80x128xf32, #tpu.memory_space<vmem>>, vector<16xf32>,
        %get3A_479 = arith.index_cast %add3A_462 : i32 to index
        %get3A_480 = arith.constant 32 : index
        %get3A_481 = tpu.vector_load %arg15[%get3A_479, %get3A_480] {strides = array<i32>} : memref<80x128xf32, #tpu.memory_space<vmem>>, vector<16xf32>,
        %mul3A_482 = arith.mulf %get3A_481, %gather3A_464 : vector<16xf32>
        %swap3A_483 = arith.index_cast %add3A_462 : i32 to index
        %swap3A_484 = arith.constant 32 : index
        %swap3A_485 = tpu.vector_load %arg15[%swap3A_483, %swap3A_484] {strides = array<i32>} : memref<80x128xf32, #tpu.memory_space<vmem>>, vector<16xf32>,
        tpu.vector_store %arg15[%swap3A_483, %swap3A_484], %mul3A_482 {strides = array<i32>} : memref<80x128xf32, #tpu.memory_space<vmem>>, vector<16xf32>,
        %get3A_486 = arith.index_cast %add3A_462 : i32 to index
        %get3A_487 = arith.constant 48 : index
        %get3A_488 = tpu.vector_load %arg15[%get3A_486, %get3A_487] {strides = array<i32>} : memref<80x128xf32, #tpu.memory_space<vmem>>, vector<16xf32>,
        %mul3A_489 = arith.mulf %get3A_488, %gather3A_464 : vector<16xf32>
        %swap3A_490 = arith.index_cast %add3A_462 : i32 to index
        %swap3A_491 = arith.constant 48 : index
        %swap3A_492 = tpu.vector_load %arg15[%swap3A_490, %swap3A_491] {strides = array<i32>} : memref<80x128xf32, #tpu.memory_space<vmem>>, vector<16xf32>,
        tpu.vector_store %arg15[%swap3A_490, %swap3A_491], %mul3A_489 {strides = array<i32>} : memref<80x128xf32, #tpu.memory_space<vmem>>, vector<16xf32>,
        %get3A_493 = arith.index_cast %add3A_462 : i32 to index
        %get3A_494 = arith.constant 64 : index
        %get3A_495 = tpu.vector_load %arg15[%get3A_493, %get3A_494] {strides = array<i32>} : memref<80x128xf32, #tpu.memory_space<vmem>>, vector<16xf32>,
        %mul3A_496 = arith.mulf %get3A_495, %gather3A_464 : vector<16xf32>
        %swap3A_497 = arith.index_cast %add3A_462 : i32 to index
        %swap3A_498 = arith.constant 64 : index
        %swap3A_499 = tpu.vector_load %arg15[%swap3A_497, %swap3A_498] {strides = array<i32>} : memref<80x128xf32, #tpu.memory_space<vmem>>, vector<16xf32>,
        tpu.vector_store %arg15[%swap3A_497, %swap3A_498], %mul3A_496 {strides = array<i32>} : memref<80x128xf32, #tpu.memory_space<vmem>>, vector<16xf32>,
        %get3A_500 = arith.index_cast %add3A_462 : i32 to index
        %get3A_501 = arith.constant 80 : index
        %get3A_502 = tpu.vector_load %arg15[%get3A_500, %get3A_501] {strides = array<i32>} : memref<80x128xf32, #tpu.memory_space<vmem>>, vector<16xf32>,
        %mul3A_503 = arith.mulf %get3A_502, %gather3A_464 : vector<16xf32>
        %swap3A_504 = arith.index_cast %add3A_462 : i32 to index
        %swap3A_505 = arith.constant 80 : index
        %swap3A_506 = tpu.vector_load %arg15[%swap3A_504, %swap3A_505] {strides = array<i32>} : memref<80x128xf32, #tpu.memory_space<vmem>>, vector<16xf32>,
        tpu.vector_store %arg15[%swap3A_504, %swap3A_505], %mul3A_503 {strides = array<i32>} : memref<80x128xf32, #tpu.memory_space<vmem>>, vector<16xf32>,
        %get3A_507 = arith.index_cast %add3A_462 : i32 to index
        %get3A_508 = arith.constant 96 : index
        %get3A_509 = tpu.vector_load %arg15[%get3A_507, %get3A_508] {strides = array<i32>} : memref<80x128xf32, #tpu.memory_space<vmem>>, vector<16xf32>,
        %mul3A_510 = arith.mulf %get3A_509, %gather3A_464 : vector<16xf32>
        %swap3A_511 = arith.index_cast %add3A_462 : i32 to index
        %swap3A_512 = arith.constant 96 : index
        %swap3A_513 = tpu.vector_load %arg15[%swap3A_511, %swap3A_512] {strides = array<i32>} : memref<80x128xf32, #tpu.memory_space<vmem>>, vector<16xf32>,
        tpu.vector_store %arg15[%swap3A_511, %swap3A_512], %mul3A_510 {strides = array<i32>} : memref<80x128xf32, #tpu.memory_space<vmem>>, vector<16xf32>,
        %get3A_514 = arith.index_cast %add3A_462 : i32 to index
        %get3A_515 = arith.constant 112 : index
        %get3A_516 = tpu.vector_load %arg15[%get3A_514, %get3A_515] {strides = array<i32>} : memref<80x128xf32, #tpu.memory_space<vmem>>, vector<16xf32>,
        %mul3A_517 = arith.mulf %get3A_516, %gather3A_464 : vector<16xf32>
        %swap3A_518 = arith.index_cast %add3A_462 : i32 to index
        %swap3A_519 = arith.constant 112 : index
        %swap3A_520 = tpu.vector_load %arg15[%swap3A_518, %swap3A_519] {strides = array<i32>} : memref<80x128xf32, #tpu.memory_space<vmem>>, vector<16xf32>,
        tpu.vector_store %arg15[%swap3A_518, %swap3A_519], %mul3A_517 {strides = array<i32>} : memref<80x128xf32, #tpu.memory_space<vmem>>, vector<16xf32>,
      }
      %scan3A_445 = arith.constant 80 : i32
      %add3A_446 = arith.constant 2 : i32
      %add3A_447 = arith.addi %add3A_324, %add3A_446 : i32
      %lt3A_448 = arith.constant 125 : i32
      %lt3A_449 = arith.cmpi slt, %add3A_447, %lt3A_448 : i32
      %convert_element_type3A_450 = arith.extui %lt3A_449 : i1 to i32
      %cond3A_451 = arith.constant 0 : i32
      %cond3A_452 = arith.cmpi ne, %convert_element_type3A_450, %cond3A_451 : i32
      scf.if %cond3A_452 {
        %add3A_458 = arith.constant 2 : i32
        %add3A_459 = arith.addi %add3A_324, %add3A_458 : i32
        %mul3A_460 = arith.constant 80 : i32
        %mul3A_461 = arith.muli %add3A_459, %mul3A_460 : i32
        %add3A_462 = arith.addi %multiple_of3A, %mul3A_461 : i32
        %multiple_of3A_463 = tpu.assume_multiple %add3A_462, 8 : i32
        %dma_start3A_464 = tpu.memref_slice %arg5[%multiple_of3A_463] : memref<640000xi32, #tpu.memory_space<hbm>> -> memref<80xi32, #tpu.memory_space<hbm>>
        %dma_start3A_465 = tpu.memref_slice %arg5[%multiple_of3A_463] : memref<640000xi32, #tpu.memory_space<hbm>> -> memref<80xi32, #tpu.memory_space<hbm>>
        tpu.enqueue_dma source(%dma_start3A_465 : memref<80xi32, #tpu.memory_space<hbm>>) target(%arg11 : memref<80xi32, #tpu.memory_space<vmem>>) target_semaphore(%arg25 : memref<!tpu.dma_semaphore, #tpu.memory_space<semaphore_mem>>)
        %add3A_466 = arith.constant 320000 : i32
        %add3A_467 = arith.addi %add3A_466, %multiple_of3A_463 : i32
        %dma_start3A_468 = tpu.memref_slice %arg5[%add3A_467] : memref<640000xi32, #tpu.memory_space<hbm>> -> memref<80xi32, #tpu.memory_space<hbm>>
        %dma_start3A_469 = tpu.memref_slice %arg5[%add3A_467] : memref<640000xi32, #tpu.memory_space<hbm>> -> memref<80xi32, #tpu.memory_space<hbm>>
        tpu.enqueue_dma source(%dma_start3A_469 : memref<80xi32, #tpu.memory_space<hbm>>) target(%arg13 : memref<80xi32, #tpu.memory_space<vmem>>) target_semaphore(%arg25 : memref<!tpu.dma_semaphore, #tpu.memory_space<semaphore_mem>>)
      } else {
      }
      %dma_start3A_453 = arith.constant 0 : i32
      %dma_start3A_454 = arith.constant 0 : i32
      %dma_start3A_455 = tpu.memref_slice %arg21[%dma_start3A_453, %dma_start3A_454] : memref<10000x128xf32, #tpu.memory_space<vmem_shared>> -> memref<10000x128xf32, #tpu.memory_space<vmem_shared>>
      tpu.enqueue_indirect_dma source(%arg15 : memref<80x128xf32, #tpu.memory_space<vmem>>) target(%dma_start3A_455 : memref<10000x128xf32, #tpu.memory_space<vmem_shared>>) offsets(%arg19 : memref<80xi32, #tpu.memory_space<vmem>>) semaphore(%arg29 : memref<!tpu.dma_semaphore, #tpu.memory_space<semaphore_mem>>) {add = true}
      %dma_start3A_456 = arith.constant 0 : i32
      %dma_start3A_457 = tpu.memref_slice %arg22[%dma_start3A_456] : memref<10240xf32, #tpu.memory_space<vmem_shared>> -> memref<10240xf32, #tpu.memory_space<vmem_shared>>
      tpu.enqueue_indirect_dma source(%arg17 : memref<80xf32, #tpu.memory_space<vmem>>) target(%dma_start3A_457 : memref<10240xf32, #tpu.memory_space<vmem_shared>>) offsets(%arg19 : memref<80xi32, #tpu.memory_space<vmem>>) semaphore(%arg29 : memref<!tpu.dma_semaphore, #tpu.memory_space<semaphore_mem>>) {add = true}
    }
    %scan3A_56 = arith.constant 62 : i32
    %dma_wait3A_57 = arith.constant 0 : i32
    %dma_wait3A_58 = arith.constant 0 : i32
    %dma_wait3A_59 = tpu.memref_slice %arg2[%dma_wait3A_57, %dma_wait3A_58] : memref<10000x128xf32, #tpu.memory_space<hbm>> -> memref<10000x128xf32, #tpu.memory_space<hbm>>
    tpu.wait_indirect_dma semaphore(%arg26 : memref<!tpu.dma_semaphore, #tpu.memory_space<semaphore_mem>>) src(%dma_wait3A_59 : memref<10000x128xf32, #tpu.memory_space<hbm>>) dst(%arg14 : memref<80x128xf32, #tpu.memory_space<vmem>>)
    %get3A = arith.constant 0 : index
    %get3A_60 = tpu.vector_load %arg10[%get3A] {strides = array<i32>} : memref<80xi32, #tpu.memory_space<vmem>>, vector<16xi32>,
    %get3A_61 = arith.constant 0 : index
    %get3A_62 = tpu.vector_load %arg12[%get3A_61] {strides = array<i32>} : memref<80xi32, #tpu.memory_space<vmem>>, vector<16xi32>,
    %gather3A = tpu.vector_load_idx %arg8[%get3A_60] : memref<10000xf32, #tpu.memory_space<vmem>>[vector<16xi32>], vector<16xf32>,
    %gather3A_63 = tpu.vector_load_idx %arg9[%get3A_62] : memref<10000xf32, #tpu.memory_space<vmem>>[vector<16xi32>], vector<16xf32>,
    %add3A_64 = arith.addf %gather3A, %gather3A_63 : vector<16xf32>
    %gt3A = arith.constant 0.000000e+00 : f32
    %gt3A_65 = vector.broadcast %gt3A : f32 to vector<16xf32>
    %gt3A_66 = arith.cmpf ogt, %add3A_64, %gt3A_65 : vector<16xf32>
    %mul3A_67 = arith.constant 2.000000e-01 : f32
    %mul3A_68 = vector.broadcast %mul3A_67 : f32 to vector<16xf32>
    %mul3A_69 = arith.mulf %mul3A_68, %add3A_64 : vector<16xf32>
    %select_n3A = arith.select %gt3A_66, %add3A_64, %mul3A_69 : vector<16xi1>, vector<16xf32>
    %exp3A = math.exp %select_n3A : vector<16xf32>
    %swap3A = arith.constant 0 : index
    %swap3A_70 = tpu.vector_load %arg16[%swap3A] {strides = array<i32>} : memref<80xf32, #tpu.memory_space<vmem>>, vector<16xf32>,
    tpu.vector_store %arg16[%swap3A], %exp3A {strides = array<i32>} : memref<80xf32, #tpu.memory_space<vmem>>, vector<16xf32>,
    %swap3A_71 = arith.constant 0 : index
    %swap3A_72 = tpu.vector_load %arg18[%swap3A_71] {strides = array<i32>} : memref<80xi32, #tpu.memory_space<vmem>>, vector<16xi32>,
    tpu.vector_store %arg18[%swap3A_71], %get3A_62 {strides = array<i32>} : memref<80xi32, #tpu.memory_space<vmem>>, vector<16xi32>,
    %get3A_73 = arith.constant 16 : index
    %get3A_74 = tpu.vector_load %arg10[%get3A_73] {strides = array<i32>} : memref<80xi32, #tpu.memory_space<vmem>>, vector<16xi32>,
    %get3A_75 = arith.constant 16 : index
    %get3A_76 = tpu.vector_load %arg12[%get3A_75] {strides = array<i32>} : memref<80xi32, #tpu.memory_space<vmem>>, vector<16xi32>,
    %gather3A_77 = tpu.vector_load_idx %arg8[%get3A_74] : memref<10000xf32, #tpu.memory_space<vmem>>[vector<16xi32>], vector<16xf32>,
    %gather3A_78 = tpu.vector_load_idx %arg9[%get3A_76] : memref<10000xf32, #tpu.memory_space<vmem>>[vector<16xi32>], vector<16xf32>,
    %add3A_79 = arith.addf %gather3A_77, %gather3A_78 : vector<16xf32>
    %gt3A_80 = arith.constant 0.000000e+00 : f32
    %gt3A_81 = vector.broadcast %gt3A_80 : f32 to vector<16xf32>
    %gt3A_82 = arith.cmpf ogt, %add3A_79, %gt3A_81 : vector<16xf32>
    %mul3A_83 = arith.constant 2.000000e-01 : f32
    %mul3A_84 = vector.broadcast %mul3A_83 : f32 to vector<16xf32>
    %mul3A_85 = arith.mulf %mul3A_84, %add3A_79 : vector<16xf32>
    %select_n3A_86 = arith.select %gt3A_82, %add3A_79, %mul3A_85 : vector<16xi1>, vector<16xf32>
    %exp3A_87 = math.exp %select_n3A_86 : vector<16xf32>
    %swap3A_88 = arith.constant 16 : index
    %swap3A_89 = tpu.vector_load %arg16[%swap3A_88] {strides = array<i32>} : memref<80xf32, #tpu.memory_space<vmem>>, vector<16xf32>,
    tpu.vector_store %arg16[%swap3A_88], %exp3A_87 {strides = array<i32>} : memref<80xf32, #tpu.memory_space<vmem>>, vector<16xf32>,
    %swap3A_90 = arith.constant 16 : index
    %swap3A_91 = tpu.vector_load %arg18[%swap3A_90] {strides = array<i32>} : memref<80xi32, #tpu.memory_space<vmem>>, vector<16xi32>,
    tpu.vector_store %arg18[%swap3A_90], %get3A_76 {strides = array<i32>} : memref<80xi32, #tpu.memory_space<vmem>>, vector<16xi32>,
    %get3A_92 = arith.constant 32 : index
    %get3A_93 = tpu.vector_load %arg10[%get3A_92] {strides = array<i32>} : memref<80xi32, #tpu.memory_space<vmem>>, vector<16xi32>,
    %get3A_94 = arith.constant 32 : index
    %get3A_95 = tpu.vector_load %arg12[%get3A_94] {strides = array<i32>} : memref<80xi32, #tpu.memory_space<vmem>>, vector<16xi32>,
    %gather3A_96 = tpu.vector_load_idx %arg8[%get3A_93] : memref<10000xf32, #tpu.memory_space<vmem>>[vector<16xi32>], vector<16xf32>,
    %gather3A_97 = tpu.vector_load_idx %arg9[%get3A_95] : memref<10000xf32, #tpu.memory_space<vmem>>[vector<16xi32>], vector<16xf32>,
    %add3A_98 = arith.addf %gather3A_96, %gather3A_97 : vector<16xf32>
    %gt3A_99 = arith.constant 0.000000e+00 : f32
    %gt3A_100 = vector.broadcast %gt3A_99 : f32 to vector<16xf32>
    %gt3A_101 = arith.cmpf ogt, %add3A_98, %gt3A_100 : vector<16xf32>
    %mul3A_102 = arith.constant 2.000000e-01 : f32
    %mul3A_103 = vector.broadcast %mul3A_102 : f32 to vector<16xf32>
    %mul3A_104 = arith.mulf %mul3A_103, %add3A_98 : vector<16xf32>
    %select_n3A_105 = arith.select %gt3A_101, %add3A_98, %mul3A_104 : vector<16xi1>, vector<16xf32>
    %exp3A_106 = math.exp %select_n3A_105 : vector<16xf32>
    %swap3A_107 = arith.constant 32 : index
    %swap3A_108 = tpu.vector_load %arg16[%swap3A_107] {strides = array<i32>} : memref<80xf32, #tpu.memory_space<vmem>>, vector<16xf32>,
    tpu.vector_store %arg16[%swap3A_107], %exp3A_106 {strides = array<i32>} : memref<80xf32, #tpu.memory_space<vmem>>, vector<16xf32>,
    %swap3A_109 = arith.constant 32 : index
    %swap3A_110 = tpu.vector_load %arg18[%swap3A_109] {strides = array<i32>} : memref<80xi32, #tpu.memory_space<vmem>>, vector<16xi32>,
    tpu.vector_store %arg18[%swap3A_109], %get3A_95 {strides = array<i32>} : memref<80xi32, #tpu.memory_space<vmem>>, vector<16xi32>,
    %get3A_111 = arith.constant 48 : index
    %get3A_112 = tpu.vector_load %arg10[%get3A_111] {strides = array<i32>} : memref<80xi32, #tpu.memory_space<vmem>>, vector<16xi32>,
    %get3A_113 = arith.constant 48 : index
    %get3A_114 = tpu.vector_load %arg12[%get3A_113] {strides = array<i32>} : memref<80xi32, #tpu.memory_space<vmem>>, vector<16xi32>,
    %gather3A_115 = tpu.vector_load_idx %arg8[%get3A_112] : memref<10000xf32, #tpu.memory_space<vmem>>[vector<16xi32>], vector<16xf32>,
    %gather3A_116 = tpu.vector_load_idx %arg9[%get3A_114] : memref<10000xf32, #tpu.memory_space<vmem>>[vector<16xi32>], vector<16xf32>,
    %add3A_117 = arith.addf %gather3A_115, %gather3A_116 : vector<16xf32>
    %gt3A_118 = arith.constant 0.000000e+00 : f32
    %gt3A_119 = vector.broadcast %gt3A_118 : f32 to vector<16xf32>
    %gt3A_120 = arith.cmpf ogt, %add3A_117, %gt3A_119 : vector<16xf32>
    %mul3A_121 = arith.constant 2.000000e-01 : f32
    %mul3A_122 = vector.broadcast %mul3A_121 : f32 to vector<16xf32>
    %mul3A_123 = arith.mulf %mul3A_122, %add3A_117 : vector<16xf32>
    %select_n3A_124 = arith.select %gt3A_120, %add3A_117, %mul3A_123 : vector<16xi1>, vector<16xf32>
    %exp3A_125 = math.exp %select_n3A_124 : vector<16xf32>
    %swap3A_126 = arith.constant 48 : index
    %swap3A_127 = tpu.vector_load %arg16[%swap3A_126] {strides = array<i32>} : memref<80xf32, #tpu.memory_space<vmem>>, vector<16xf32>,
    tpu.vector_store %arg16[%swap3A_126], %exp3A_125 {strides = array<i32>} : memref<80xf32, #tpu.memory_space<vmem>>, vector<16xf32>,
    %swap3A_128 = arith.constant 48 : index
    %swap3A_129 = tpu.vector_load %arg18[%swap3A_128] {strides = array<i32>} : memref<80xi32, #tpu.memory_space<vmem>>, vector<16xi32>,
    tpu.vector_store %arg18[%swap3A_128], %get3A_114 {strides = array<i32>} : memref<80xi32, #tpu.memory_space<vmem>>, vector<16xi32>,
    %get3A_130 = arith.constant 64 : index
    %get3A_131 = tpu.vector_load %arg10[%get3A_130] {strides = array<i32>} : memref<80xi32, #tpu.memory_space<vmem>>, vector<16xi32>,
    %get3A_132 = arith.constant 64 : index
    %get3A_133 = tpu.vector_load %arg12[%get3A_132] {strides = array<i32>} : memref<80xi32, #tpu.memory_space<vmem>>, vector<16xi32>,
    %gather3A_134 = tpu.vector_load_idx %arg8[%get3A_131] : memref<10000xf32, #tpu.memory_space<vmem>>[vector<16xi32>], vector<16xf32>,
    %gather3A_135 = tpu.vector_load_idx %arg9[%get3A_133] : memref<10000xf32, #tpu.memory_space<vmem>>[vector<16xi32>], vector<16xf32>,
    %add3A_136 = arith.addf %gather3A_134, %gather3A_135 : vector<16xf32>
    %gt3A_137 = arith.constant 0.000000e+00 : f32
    %gt3A_138 = vector.broadcast %gt3A_137 : f32 to vector<16xf32>
    %gt3A_139 = arith.cmpf ogt, %add3A_136, %gt3A_138 : vector<16xf32>
    %mul3A_140 = arith.constant 2.000000e-01 : f32
    %mul3A_141 = vector.broadcast %mul3A_140 : f32 to vector<16xf32>
    %mul3A_142 = arith.mulf %mul3A_141, %add3A_136 : vector<16xf32>
    %select_n3A_143 = arith.select %gt3A_139, %add3A_136, %mul3A_142 : vector<16xi1>, vector<16xf32>
    %exp3A_144 = math.exp %select_n3A_143 : vector<16xf32>
    %swap3A_145 = arith.constant 64 : index
    %swap3A_146 = tpu.vector_load %arg16[%swap3A_145] {strides = array<i32>} : memref<80xf32, #tpu.memory_space<vmem>>, vector<16xf32>,
    tpu.vector_store %arg16[%swap3A_145], %exp3A_144 {strides = array<i32>} : memref<80xf32, #tpu.memory_space<vmem>>, vector<16xf32>,
    %swap3A_147 = arith.constant 64 : index
    %swap3A_148 = tpu.vector_load %arg18[%swap3A_147] {strides = array<i32>} : memref<80xi32, #tpu.memory_space<vmem>>, vector<16xi32>,
    tpu.vector_store %arg18[%swap3A_147], %get3A_133 {strides = array<i32>} : memref<80xi32, #tpu.memory_space<vmem>>, vector<16xi32>,
    %scan3A_149 = arith.constant 0 : i32
    %scan3A_150 = arith.constant 80 : i32
    %scan3A_151 = arith.addi %scan3A_149, %scan3A_150 : i32
    %scan3A_152 = arith.constant 1 : i32
    scf.for %scan3A_180 = %scan3A_149 to %scan3A_151 step %scan3A_152  : i32 {
      %mul3A_181 = arith.constant 1 : i32
      %mul3A_182 = arith.muli %scan3A_180, %mul3A_181 : i32
      %add3A_183 = arith.constant 0 : i32
      %add3A_184 = arith.addi %add3A_183, %mul3A_182 : i32
      %broadcast_in_dim3A_185 = vector.broadcast %add3A_184 : i32 to vector<16xi32>
      %gather3A_186 = tpu.vector_load_idx %arg16[%broadcast_in_dim3A_185] : memref<80xf32, #tpu.memory_space<vmem>>[vector<16xi32>], vector<16xf32>,
      %get3A_187 = arith.index_cast %add3A_184 : i32 to index
      %get3A_188 = arith.constant 0 : index
      %get3A_189 = tpu.vector_load %arg14[%get3A_187, %get3A_188] {strides = array<i32>} : memref<80x128xf32, #tpu.memory_space<vmem>>, vector<16xf32>,
      %mul3A_190 = arith.mulf %get3A_189, %gather3A_186 : vector<16xf32>
      %swap3A_191 = arith.index_cast %add3A_184 : i32 to index
      %swap3A_192 = arith.constant 0 : index
      %swap3A_193 = tpu.vector_load %arg14[%swap3A_191, %swap3A_192] {strides = array<i32>} : memref<80x128xf32, #tpu.memory_space<vmem>>, vector<16xf32>,
      tpu.vector_store %arg14[%swap3A_191, %swap3A_192], %mul3A_190 {strides = array<i32>} : memref<80x128xf32, #tpu.memory_space<vmem>>, vector<16xf32>,
      %get3A_194 = arith.index_cast %add3A_184 : i32 to index
      %get3A_195 = arith.constant 16 : index
      %get3A_196 = tpu.vector_load %arg14[%get3A_194, %get3A_195] {strides = array<i32>} : memref<80x128xf32, #tpu.memory_space<vmem>>, vector<16xf32>,
      %mul3A_197 = arith.mulf %get3A_196, %gather3A_186 : vector<16xf32>
      %swap3A_198 = arith.index_cast %add3A_184 : i32 to index
      %swap3A_199 = arith.constant 16 : index
      %swap3A_200 = tpu.vector_load %arg14[%swap3A_198, %swap3A_199] {strides = array<i32>} : memref<80x128xf32, #tpu.memory_space<vmem>>, vector<16xf32>,
      tpu.vector_store %arg14[%swap3A_198, %swap3A_199], %mul3A_197 {strides = array<i32>} : memref<80x128xf32, #tpu.memory_space<vmem>>, vector<16xf32>,
      %get3A_201 = arith.index_cast %add3A_184 : i32 to index
      %get3A_202 = arith.constant 32 : index
      %get3A_203 = tpu.vector_load %arg14[%get3A_201, %get3A_202] {strides = array<i32>} : memref<80x128xf32, #tpu.memory_space<vmem>>, vector<16xf32>,
      %mul3A_204 = arith.mulf %get3A_203, %gather3A_186 : vector<16xf32>
      %swap3A_205 = arith.index_cast %add3A_184 : i32 to index
      %swap3A_206 = arith.constant 32 : index
      %swap3A_207 = tpu.vector_load %arg14[%swap3A_205, %swap3A_206] {strides = array<i32>} : memref<80x128xf32, #tpu.memory_space<vmem>>, vector<16xf32>,
      tpu.vector_store %arg14[%swap3A_205, %swap3A_206], %mul3A_204 {strides = array<i32>} : memref<80x128xf32, #tpu.memory_space<vmem>>, vector<16xf32>,
      %get3A_208 = arith.index_cast %add3A_184 : i32 to index
      %get3A_209 = arith.constant 48 : index
      %get3A_210 = tpu.vector_load %arg14[%get3A_208, %get3A_209] {strides = array<i32>} : memref<80x128xf32, #tpu.memory_space<vmem>>, vector<16xf32>,
      %mul3A_211 = arith.mulf %get3A_210, %gather3A_186 : vector<16xf32>
      %swap3A_212 = arith.index_cast %add3A_184 : i32 to index
      %swap3A_213 = arith.constant 48 : index
      %swap3A_214 = tpu.vector_load %arg14[%swap3A_212, %swap3A_213] {strides = array<i32>} : memref<80x128xf32, #tpu.memory_space<vmem>>, vector<16xf32>,
      tpu.vector_store %arg14[%swap3A_212, %swap3A_213], %mul3A_211 {strides = array<i32>} : memref<80x128xf32, #tpu.memory_space<vmem>>, vector<16xf32>,
      %get3A_215 = arith.index_cast %add3A_184 : i32 to index
      %get3A_216 = arith.constant 64 : index
      %get3A_217 = tpu.vector_load %arg14[%get3A_215, %get3A_216] {strides = array<i32>} : memref<80x128xf32, #tpu.memory_space<vmem>>, vector<16xf32>,
      %mul3A_218 = arith.mulf %get3A_217, %gather3A_186 : vector<16xf32>
      %swap3A_219 = arith.index_cast %add3A_184 : i32 to index
      %swap3A_220 = arith.constant 64 : index
      %swap3A_221 = tpu.vector_load %arg14[%swap3A_219, %swap3A_220] {strides = array<i32>} : memref<80x128xf32, #tpu.memory_space<vmem>>, vector<16xf32>,
      tpu.vector_store %arg14[%swap3A_219, %swap3A_220], %mul3A_218 {strides = array<i32>} : memref<80x128xf32, #tpu.memory_space<vmem>>, vector<16xf32>,
      %get3A_222 = arith.index_cast %add3A_184 : i32 to index
      %get3A_223 = arith.constant 80 : index
      %get3A_224 = tpu.vector_load %arg14[%get3A_222, %get3A_223] {strides = array<i32>} : memref<80x128xf32, #tpu.memory_space<vmem>>, vector<16xf32>,
      %mul3A_225 = arith.mulf %get3A_224, %gather3A_186 : vector<16xf32>
      %swap3A_226 = arith.index_cast %add3A_184 : i32 to index
      %swap3A_227 = arith.constant 80 : index
      %swap3A_228 = tpu.vector_load %arg14[%swap3A_226, %swap3A_227] {strides = array<i32>} : memref<80x128xf32, #tpu.memory_space<vmem>>, vector<16xf32>,
      tpu.vector_store %arg14[%swap3A_226, %swap3A_227], %mul3A_225 {strides = array<i32>} : memref<80x128xf32, #tpu.memory_space<vmem>>, vector<16xf32>,
      %get3A_229 = arith.index_cast %add3A_184 : i32 to index
      %get3A_230 = arith.constant 96 : index
      %get3A_231 = tpu.vector_load %arg14[%get3A_229, %get3A_230] {strides = array<i32>} : memref<80x128xf32, #tpu.memory_space<vmem>>, vector<16xf32>,
      %mul3A_232 = arith.mulf %get3A_231, %gather3A_186 : vector<16xf32>
      %swap3A_233 = arith.index_cast %add3A_184 : i32 to index
      %swap3A_234 = arith.constant 96 : index
      %swap3A_235 = tpu.vector_load %arg14[%swap3A_233, %swap3A_234] {strides = array<i32>} : memref<80x128xf32, #tpu.memory_space<vmem>>, vector<16xf32>,
      tpu.vector_store %arg14[%swap3A_233, %swap3A_234], %mul3A_232 {strides = array<i32>} : memref<80x128xf32, #tpu.memory_space<vmem>>, vector<16xf32>,
      %get3A_236 = arith.index_cast %add3A_184 : i32 to index
      %get3A_237 = arith.constant 112 : index
      %get3A_238 = tpu.vector_load %arg14[%get3A_236, %get3A_237] {strides = array<i32>} : memref<80x128xf32, #tpu.memory_space<vmem>>, vector<16xf32>,
      %mul3A_239 = arith.mulf %get3A_238, %gather3A_186 : vector<16xf32>
      %swap3A_240 = arith.index_cast %add3A_184 : i32 to index
      %swap3A_241 = arith.constant 112 : index
      %swap3A_242 = tpu.vector_load %arg14[%swap3A_240, %swap3A_241] {strides = array<i32>} : memref<80x128xf32, #tpu.memory_space<vmem>>, vector<16xf32>,
      tpu.vector_store %arg14[%swap3A_240, %swap3A_241], %mul3A_239 {strides = array<i32>} : memref<80x128xf32, #tpu.memory_space<vmem>>, vector<16xf32>,
    }
    %scan3A_153 = arith.constant 80 : i32
    %dma_wait3A_154 = arith.constant 0 : i32
    %dma_wait3A_155 = arith.constant 0 : i32
    %dma_wait3A_156 = tpu.memref_slice %arg21[%dma_wait3A_154, %dma_wait3A_155] : memref<10000x128xf32, #tpu.memory_space<vmem_shared>> -> memref<10000x128xf32, #tpu.memory_space<vmem_shared>>
    tpu.wait_indirect_dma semaphore(%arg29 : memref<!tpu.dma_semaphore, #tpu.memory_space<semaphore_mem>>) src(%arg15 : memref<80x128xf32, #tpu.memory_space<vmem>>) dst(%dma_wait3A_156 : memref<10000x128xf32, #tpu.memory_space<vmem_shared>>)
    %dma_wait3A_157 = arith.constant 0 : i32
    %dma_wait3A_158 = tpu.memref_slice %arg22[%dma_wait3A_157] : memref<10240xf32, #tpu.memory_space<vmem_shared>> -> memref<10240xf32, #tpu.memory_space<vmem_shared>>
    tpu.wait_indirect_dma semaphore(%arg29 : memref<!tpu.dma_semaphore, #tpu.memory_space<semaphore_mem>>) src(%arg17 : memref<80xf32, #tpu.memory_space<vmem>>) dst(%dma_wait3A_158 : memref<10240xf32, #tpu.memory_space<vmem_shared>>)
    %dma_start3A_159 = arith.constant 0 : i32
    %dma_start3A_160 = arith.constant 0 : i32
    %dma_start3A_161 = tpu.memref_slice %arg21[%dma_start3A_159, %dma_start3A_160] : memref<10000x128xf32, #tpu.memory_space<vmem_shared>> -> memref<10000x128xf32, #tpu.memory_space<vmem_shared>>
    tpu.enqueue_indirect_dma source(%arg14 : memref<80x128xf32, #tpu.memory_space<vmem>>) target(%dma_start3A_161 : memref<10000x128xf32, #tpu.memory_space<vmem_shared>>) offsets(%arg18 : memref<80xi32, #tpu.memory_space<vmem>>) semaphore(%arg28 : memref<!tpu.dma_semaphore, #tpu.memory_space<semaphore_mem>>) {add = true}
    %dma_start3A_162 = arith.constant 0 : i32
    %dma_start3A_163 = tpu.memref_slice %arg22[%dma_start3A_162] : memref<10240xf32, #tpu.memory_space<vmem_shared>> -> memref<10240xf32, #tpu.memory_space<vmem_shared>>
    tpu.enqueue_indirect_dma source(%arg16 : memref<80xf32, #tpu.memory_space<vmem>>) target(%dma_start3A_163 : memref<10240xf32, #tpu.memory_space<vmem_shared>>) offsets(%arg18 : memref<80xi32, #tpu.memory_space<vmem>>) semaphore(%arg28 : memref<!tpu.dma_semaphore, #tpu.memory_space<semaphore_mem>>) {add = true}
    %dma_wait3A_164 = arith.constant 0 : i32
    %dma_wait3A_165 = arith.constant 0 : i32
    %dma_wait3A_166 = tpu.memref_slice %arg21[%dma_wait3A_164, %dma_wait3A_165] : memref<10000x128xf32, #tpu.memory_space<vmem_shared>> -> memref<10000x128xf32, #tpu.memory_space<vmem_shared>>
    tpu.wait_indirect_dma semaphore(%arg28 : memref<!tpu.dma_semaphore, #tpu.memory_space<semaphore_mem>>) src(%arg14 : memref<80x128xf32, #tpu.memory_space<vmem>>) dst(%dma_wait3A_166 : memref<10000x128xf32, #tpu.memory_space<vmem_shared>>)
    %dma_wait3A_167 = arith.constant 0 : i32
    %dma_wait3A_168 = tpu.memref_slice %arg22[%dma_wait3A_167] : memref<10240xf32, #tpu.memory_space<vmem_shared>> -> memref<10240xf32, #tpu.memory_space<vmem_shared>>
    tpu.wait_indirect_dma semaphore(%arg28 : memref<!tpu.dma_semaphore, #tpu.memory_space<semaphore_mem>>) src(%arg16 : memref<80xf32, #tpu.memory_space<vmem>>) dst(%dma_wait3A_168 : memref<10240xf32, #tpu.memory_space<vmem_shared>>)
    %barrier3A_169 = arith.constant 0 : index
    tpu.barrier barrier_id(%barrier3A_169)
    %ne3A_170 = arith.constant 15 : i32
    %ne3A_171 = arith.cmpi ne, %arg1, %ne3A_170 : i32
    %convert_element_type3A_172 = arith.extui %ne3A_171 : i1 to i32
    %cond3A_173 = arith.constant 0 : i32
    %cond3A_174 = arith.cmpi ne, %convert_element_type3A_172, %cond3A_173 : i32
    scf.if %cond3A_174 {
      "tpu.region"() ({
        %run_scoped3A = tpu.sem_alloc : memref<!tpu.dma_semaphore, #tpu.memory_space<semaphore_mem>>
        %dma_start3A_180 = arith.constant 0 : i32
        %dma_start3A_181 = tpu.memref_slice %arg6[%arg0, %multiple_of3A_32, %dma_start3A_180] : memref<2x10000x128xf32, #tpu.memory_space<hbm>> -> memref<1x632x128xf32, #tpu.memory_space<hbm>>
        %dma_start3A_182 = tpu.memref_squeeze %dma_start3A_181 : memref<1x632x128xf32, #tpu.memory_space<hbm>> -> memref<632x128xf32, #tpu.memory_space<hbm>>
        %dma_start3A_183 = arith.constant 0 : i32
        %dma_start3A_184 = tpu.memref_slice %arg21[%multiple_of3A_32, %dma_start3A_183] : memref<10000x128xf32, #tpu.memory_space<vmem_shared>> -> memref<632x128xf32, #tpu.memory_space<vmem_shared>>
        tpu.enqueue_dma source(%dma_start3A_184 : memref<632x128xf32, #tpu.memory_space<vmem_shared>>) target(%dma_start3A_182 : memref<632x128xf32, #tpu.memory_space<hbm>>) target_semaphore(%run_scoped3A : memref<!tpu.dma_semaphore, #tpu.memory_space<semaphore_mem>>)
        %dma_wait3A_185 = arith.constant 0 : i32
        %dma_wait3A_186 = tpu.memref_slice %arg6[%arg0, %multiple_of3A_32, %dma_wait3A_185] : memref<2x10000x128xf32, #tpu.memory_space<hbm>> -> memref<1x632x128xf32, #tpu.memory_space<hbm>>
        %dma_wait3A_187 = tpu.memref_squeeze %dma_wait3A_186 : memref<1x632x128xf32, #tpu.memory_space<hbm>> -> memref<632x128xf32, #tpu.memory_space<hbm>>
        %dma_wait3A_188 = arith.constant 0 : i32
        %dma_wait3A_189 = tpu.memref_slice %arg21[%multiple_of3A_32, %dma_wait3A_188] : memref<10000x128xf32, #tpu.memory_space<vmem_shared>> -> memref<632x128xf32, #tpu.memory_space<vmem_shared>>
        tpu.wait_dma2 semaphore(%run_scoped3A : memref<!tpu.dma_semaphore, #tpu.memory_space<semaphore_mem>>) src(%dma_wait3A_189 : memref<632x128xf32, #tpu.memory_space<vmem_shared>>) dst(%dma_wait3A_187 : memref<632x128xf32, #tpu.memory_space<hbm>>)
        tpu.yield
      }) : () -> ()
    } else {
    }
    %eq3A_175 = arith.constant 15 : i32
    %eq3A_176 = arith.cmpi eq, %arg1, %eq3A_175 : i32
    %convert_element_type3A_177 = arith.extui %eq3A_176 : i1 to i32
    %cond3A_178 = arith.constant 0 : i32
    %cond3A_179 = arith.cmpi ne, %convert_element_type3A_177, %cond3A_178 : i32
    scf.if %cond3A_179 {
      "tpu.region"() ({
        %run_scoped3A = tpu.sem_alloc : memref<!tpu.dma_semaphore, #tpu.memory_space<semaphore_mem>>
        %dma_start3A_180 = arith.constant 9480 : i32
        %dma_start3A_181 = arith.constant 0 : i32
        %dma_start3A_182 = tpu.memref_slice %arg6[%arg0, %dma_start3A_180, %dma_start3A_181] : memref<2x10000x128xf32, #tpu.memory_space<hbm>> -> memref<1x520x128xf32, #tpu.memory_space<hbm>>
        %dma_start3A_183 = tpu.memref_squeeze %dma_start3A_182 : memref<1x520x128xf32, #tpu.memory_space<hbm>> -> memref<520x128xf32, #tpu.memory_space<hbm>>
        %dma_start3A_184 = arith.constant 9480 : i32
        %dma_start3A_185 = arith.constant 0 : i32
        %dma_start3A_186 = tpu.memref_slice %arg21[%dma_start3A_184, %dma_start3A_185] : memref<10000x128xf32, #tpu.memory_space<vmem_shared>> -> memref<520x128xf32, #tpu.memory_space<vmem_shared>>
        tpu.enqueue_dma source(%dma_start3A_186 : memref<520x128xf32, #tpu.memory_space<vmem_shared>>) target(%dma_start3A_183 : memref<520x128xf32, #tpu.memory_space<hbm>>) target_semaphore(%run_scoped3A : memref<!tpu.dma_semaphore, #tpu.memory_space<semaphore_mem>>)
        %dma_wait3A_187 = arith.constant 9480 : i32
        %dma_wait3A_188 = arith.constant 0 : i32
        %dma_wait3A_189 = tpu.memref_slice %arg6[%arg0, %dma_wait3A_187, %dma_wait3A_188] : memref<2x10000x128xf32, #tpu.memory_space<hbm>> -> memref<1x520x128xf32, #tpu.memory_space<hbm>>
        %dma_wait3A_190 = tpu.memref_squeeze %dma_wait3A_189 : memref<1x520x128xf32, #tpu.memory_space<hbm>> -> memref<520x128xf32, #tpu.memory_space<hbm>>
        %dma_wait3A_191 = arith.constant 9480 : i32
        %dma_wait3A_192 = arith.constant 0 : i32
        %dma_wait3A_193 = tpu.memref_slice %arg21[%dma_wait3A_191, %dma_wait3A_192] : memref<10000x128xf32, #tpu.memory_space<vmem_shared>> -> memref<520x128xf32, #tpu.memory_space<vmem_shared>>
        tpu.wait_dma2 semaphore(%run_scoped3A : memref<!tpu.dma_semaphore, #tpu.memory_space<semaphore_mem>>) src(%dma_wait3A_193 : memref<520x128xf32, #tpu.memory_space<vmem_shared>>) dst(%dma_wait3A_190 : memref<520x128xf32, #tpu.memory_space<hbm>>)
        tpu.yield
      }) : () -> ()
    } else {
    }
    "tpu.region"() ({
      %run_scoped3A = tpu.sem_alloc : memref<!tpu.dma_semaphore, #tpu.memory_space<semaphore_mem>>
      %dma_start3A_180 = tpu.memref_slice %arg7[%arg0, %multiple_of3A_41] : memref<2x10240xf32, #tpu.memory_space<hbm>> -> memref<1x640xf32, #tpu.memory_space<hbm>>
      %dma_start3A_181 = tpu.memref_squeeze %dma_start3A_180 : memref<1x640xf32, #tpu.memory_space<hbm>> -> memref<640xf32, #tpu.memory_space<hbm>>
      %dma_start3A_182 = tpu.memref_slice %arg22[%multiple_of3A_41] : memref<10240xf32, #tpu.memory_space<vmem_shared>> -> memref<640xf32, #tpu.memory_space<vmem_shared>>
      tpu.enqueue_dma source(%dma_start3A_182 : memref<640xf32, #tpu.memory_space<vmem_shared>>) target(%dma_start3A_181 : memref<640xf32, #tpu.memory_space<hbm>>) target_semaphore(%run_scoped3A : memref<!tpu.dma_semaphore, #tpu.memory_space<semaphore_mem>>)
      %dma_wait3A_183 = tpu.memref_slice %arg7[%arg0, %multiple_of3A_41] : memref<2x10240xf32, #tpu.memory_space<hbm>> -> memref<1x640xf32, #tpu.memory_space<hbm>>
      %dma_wait3A_184 = tpu.memref_squeeze %dma_wait3A_183 : memref<1x640xf32, #tpu.memory_space<hbm>> -> memref<640xf32, #tpu.memory_space<hbm>>
      %dma_wait3A_185 = tpu.memref_slice %arg22[%multiple_of3A_41] : memref<10240xf32, #tpu.memory_space<vmem_shared>> -> memref<640xf32, #tpu.memory_space<vmem_shared>>
      tpu.wait_dma2 semaphore(%run_scoped3A : memref<!tpu.dma_semaphore, #tpu.memory_space<semaphore_mem>>) src(%dma_wait3A_185 : memref<640xf32, #tpu.memory_space<vmem_shared>>) dst(%dma_wait3A_184 : memref<640xf32, #tpu.memory_space<hbm>>)
      tpu.yield
    }) : () -> ()
    return
  }
}

module attributes {stable_mosaic.version = 14 : i64} {
  func.func @_dense_body(%arg0: i32, %arg1: memref<400x128xf32, #tpu.memory_space<vmem>>, %arg2: memref<128x128xf32, #tpu.memory_space<vmem>>, %arg3: memref<128x1xf32, #tpu.memory_space<vmem>>, %arg4: memref<128x1xf32, #tpu.memory_space<vmem>>, %arg5: memref<400x128xf32, #tpu.memory_space<vmem>>, %arg6: memref<400x1xf32, #tpu.memory_space<vmem>>, %arg7: memref<400x1xf32, #tpu.memory_space<vmem>>) attributes {dimension_semantics = [#tpu.dimension_semantics<arbitrary>], iteration_bounds = array<i64: 25>, scalar_prefetch = 0 : i64, scratch_operands = 0 : i64, tpu.core_type = #tpu.core_type<tc>, window_params = [{transform_indices = @transform_0, window_bounds = array<i64: 400, 128>}, {pipeline_mode = #tpu.pipeline_mode<synchronous>, transform_indices = @transform_1, window_bounds = array<i64: 128, 128>}, {pipeline_mode = #tpu.pipeline_mode<synchronous>, transform_indices = @transform_2, window_bounds = array<i64: 128, 1>}, {pipeline_mode = #tpu.pipeline_mode<synchronous>, transform_indices = @transform_3, window_bounds = array<i64: 128, 1>}, {transform_indices = @transform_4, window_bounds = array<i64: 400, 128>}, {transform_indices = @transform_5, window_bounds = array<i64: 400, 1>}, {transform_indices = @transform_6, window_bounds = array<i64: 400, 1>}]} {
    %get3A = arith.constant 0 : index
    %get3A_0 = arith.constant 0 : index
    %get3A_1 = vector.load %arg1[%get3A, %get3A_0] : memref<400x128xf32, #tpu.memory_space<vmem>>, vector<400x128xf32>
    %get3A_2 = arith.constant 0 : index
    %get3A_3 = arith.constant 0 : index
    %get3A_4 = vector.load %arg2[%get3A_2, %get3A_3] : memref<128x128xf32, #tpu.memory_space<vmem>>, vector<128x128xf32>
    %dot_general3A = arith.constant dense<0.000000e+00> : vector<400x128xf32>
    %dot_general3A_5 = tpu.matmul %get3A_1, %get3A_4, %dot_general3A {dimension_numbers = #tpu.dot_dimension_numbers<[1], [0], [0], [1], [0, 0, 1, 1], [], []>, transpose_lhs_hint = false} : vector<400x128xf32>, vector<128x128xf32>, vector<400x128xf32> -> vector<400x128xf32>
    %swap3A = arith.constant 0 : index
    %swap3A_6 = arith.constant 0 : index
    %swap3A_7 = vector.load %arg5[%swap3A, %swap3A_6] : memref<400x128xf32, #tpu.memory_space<vmem>>, vector<400x128xf32>
    tpu.vector_store %arg5[%swap3A, %swap3A_6], %dot_general3A_5 {strides = array<i32>} : memref<400x128xf32, #tpu.memory_space<vmem>>, vector<400x128xf32>,
    %get3A_8 = arith.constant 0 : index
    %get3A_9 = arith.constant 0 : index
    %get3A_10 = vector.load %arg3[%get3A_8, %get3A_9] : memref<128x1xf32, #tpu.memory_space<vmem>>, vector<128x1xf32>
    %dot_general3A_11 = arith.constant dense<0.000000e+00> : vector<400x1xf32>
    %dot_general3A_12 = tpu.matmul %dot_general3A_5, %get3A_10, %dot_general3A_11 {dimension_numbers = #tpu.dot_dimension_numbers<[1], [0], [0], [1], [0, 0, 1, 1], [], []>, transpose_lhs_hint = false} : vector<400x128xf32>, vector<128x1xf32>, vector<400x1xf32> -> vector<400x1xf32>
    %swap3A_13 = arith.constant 0 : index
    %swap3A_14 = arith.constant 0 : index
    %swap3A_15 = vector.load %arg6[%swap3A_13, %swap3A_14] : memref<400x1xf32, #tpu.memory_space<vmem>>, vector<400x1xf32>
    tpu.vector_store %arg6[%swap3A_13, %swap3A_14], %dot_general3A_12 {strides = array<i32>} : memref<400x1xf32, #tpu.memory_space<vmem>>, vector<400x1xf32>,
    %get3A_16 = arith.constant 0 : index
    %get3A_17 = arith.constant 0 : index
    %get3A_18 = vector.load %arg4[%get3A_16, %get3A_17] : memref<128x1xf32, #tpu.memory_space<vmem>>, vector<128x1xf32>
    %dot_general3A_19 = arith.constant dense<0.000000e+00> : vector<400x1xf32>
    %dot_general3A_20 = tpu.matmul %dot_general3A_5, %get3A_18, %dot_general3A_19 {dimension_numbers = #tpu.dot_dimension_numbers<[1], [0], [0], [1], [0, 0, 1, 1], [], []>, transpose_lhs_hint = false} : vector<400x128xf32>, vector<128x1xf32>, vector<400x1xf32> -> vector<400x1xf32>
    %swap3A_21 = arith.constant 0 : index
    %swap3A_22 = arith.constant 0 : index
    %swap3A_23 = vector.load %arg7[%swap3A_21, %swap3A_22] : memref<400x1xf32, #tpu.memory_space<vmem>>, vector<400x1xf32>
    tpu.vector_store %arg7[%swap3A_21, %swap3A_22], %dot_general3A_20 {strides = array<i32>} : memref<400x1xf32, #tpu.memory_space<vmem>>, vector<400x1xf32>,
    return
  }
  func.func @transform_0(%arg0: i32) -> (i32, i32) {
    %c0_i32 = arith.constant 0 : i32
    %c0_i32_0 = arith.constant 0 : i32
    return %arg0, %c0_i32 : i32, i32
  }
  func.func @transform_1(%arg0: i32) -> (i32, i32) {
    %c0_i32 = arith.constant 0 : i32
    %c0_i32_0 = arith.constant 0 : i32
    %c0_i32_1 = arith.constant 0 : i32
    return %c0_i32, %c0_i32_0 : i32, i32
  }
  func.func @transform_2(%arg0: i32) -> (i32, i32) {
    %c0_i32 = arith.constant 0 : i32
    %c0_i32_0 = arith.constant 0 : i32
    %c0_i32_1 = arith.constant 0 : i32
    return %c0_i32, %c0_i32_0 : i32, i32
  }
  func.func @transform_3(%arg0: i32) -> (i32, i32) {
    %c0_i32 = arith.constant 0 : i32
    %c0_i32_0 = arith.constant 0 : i32
    %c0_i32_1 = arith.constant 0 : i32
    return %c0_i32, %c0_i32_0 : i32, i32
  }
  func.func @transform_4(%arg0: i32) -> (i32, i32) {
    %c0_i32 = arith.constant 0 : i32
    %c0_i32_0 = arith.constant 0 : i32
    return %arg0, %c0_i32 : i32, i32
  }
  func.func @transform_5(%arg0: i32) -> (i32, i32) {
    %c0_i32 = arith.constant 0 : i32
    %c0_i32_0 = arith.constant 0 : i32
    return %arg0, %c0_i32 : i32, i32
  }
  func.func @transform_6(%arg0: i32) -> (i32, i32) {
    %c0_i32 = arith.constant 0 : i32
    %c0_i32_0 = arith.constant 0 : i32
    return %arg0, %c0_i32 : i32, i32
  }
}

module attributes {stable_mosaic.version = 14 : i64} {
  func.func @_final_body(%arg0: i32, %arg1: memref<2x400x128xf32, #tpu.memory_space<vmem>>, %arg2: memref<2x400x1xf32, #tpu.memory_space<vmem>>, %arg3: memref<400x128xf32, #tpu.memory_space<vmem>>) attributes {dimension_semantics = [#tpu.dimension_semantics<arbitrary>], iteration_bounds = array<i64: 25>, scalar_prefetch = 0 : i64, scratch_operands = 0 : i64, tpu.core_type = #tpu.core_type<tc>, window_params = [{transform_indices = @transform_0, window_bounds = array<i64: 2, 400, 128>}, {transform_indices = @transform_1, window_bounds = array<i64: 2, 400, 1>}, {transform_indices = @transform_2, window_bounds = array<i64: 400, 128>}]} {
    %get3A = arith.constant 0 : index
    %get3A_0 = arith.constant 0 : index
    %get3A_1 = arith.constant 0 : index
    %get3A_2 = vector.load %arg1[%get3A, %get3A_0, %get3A_1] : memref<2x400x128xf32, #tpu.memory_space<vmem>>, vector<1x400x128xf32>
    %get3A_3 = vector.shape_cast %get3A_2 : vector<1x400x128xf32> to vector<400x128xf32>
    %get3A_4 = arith.constant 1 : index
    %get3A_5 = arith.constant 0 : index
    %get3A_6 = arith.constant 0 : index
    %get3A_7 = vector.load %arg1[%get3A_4, %get3A_5, %get3A_6] : memref<2x400x128xf32, #tpu.memory_space<vmem>>, vector<1x400x128xf32>
    %get3A_8 = vector.shape_cast %get3A_7 : vector<1x400x128xf32> to vector<400x128xf32>
    %add3A = arith.addf %get3A_3, %get3A_8 : vector<400x128xf32>
    %get3A_9 = arith.constant 0 : index
    %get3A_10 = arith.constant 0 : index
    %get3A_11 = arith.constant 0 : index
    %get3A_12 = vector.load %arg2[%get3A_9, %get3A_10, %get3A_11] : memref<2x400x1xf32, #tpu.memory_space<vmem>>, vector<1x400x1xf32>
    %get3A_13 = vector.shape_cast %get3A_12 : vector<1x400x1xf32> to vector<400x1xf32>
    %get3A_14 = arith.constant 1 : index
    %get3A_15 = arith.constant 0 : index
    %get3A_16 = arith.constant 0 : index
    %get3A_17 = vector.load %arg2[%get3A_14, %get3A_15, %get3A_16] : memref<2x400x1xf32, #tpu.memory_space<vmem>>, vector<1x400x1xf32>
    %get3A_18 = vector.shape_cast %get3A_17 : vector<1x400x1xf32> to vector<400x1xf32>
    %add3A_19 = arith.addf %get3A_13, %get3A_18 : vector<400x1xf32>
    %eq3A = arith.constant 0.000000e+00 : f32
    %eq3A_20 = vector.broadcast %eq3A : f32 to vector<400x1xf32>
    %eq3A_21 = arith.cmpf oeq, %add3A_19, %eq3A_20 : vector<400x1xf32>
    %eq3A_22 = arith.constant 0.000000e+00 : f32
    %eq3A_23 = vector.broadcast %eq3A_22 : f32 to vector<400x1xf32>
    %eq3A_24 = arith.cmpf oeq, %add3A_19, %eq3A_23 : vector<400x1xf32>
    %jit3A = arith.constant 1.000000e+00 : f32
    %broadcast_in_dim3A = vector.broadcast %jit3A : f32 to vector<400x1xf32>
    %select_n3A = arith.select %eq3A_24, %broadcast_in_dim3A, %add3A_19 : vector<400x1xi1>, vector<400x1xf32>
    %div3A = vector.broadcast %select_n3A : vector<400x1xf32> to vector<400x128xf32>
    %div3A_25 = arith.divf %add3A, %div3A : vector<400x128xf32>
    %jit3A_26 = arith.constant 0.000000e+00 : f32
    %broadcast_in_dim3A_27 = vector.shape_cast %eq3A_21 : vector<400x1xi1> to vector<400x1xi1>
    %broadcast_in_dim3A_28 = vector.broadcast %broadcast_in_dim3A_27 : vector<400x1xi1> to vector<400x128xi1>
    %broadcast_in_dim3A_29 = vector.broadcast %jit3A_26 : f32 to vector<400x128xf32>
    %select_n3A_30 = arith.select %broadcast_in_dim3A_28, %broadcast_in_dim3A_29, %div3A_25 : vector<400x128xi1>, vector<400x128xf32>
    %swap3A = arith.constant 0 : index
    %swap3A_31 = arith.constant 0 : index
    %swap3A_32 = vector.load %arg3[%swap3A, %swap3A_31] : memref<400x128xf32, #tpu.memory_space<vmem>>, vector<400x128xf32>
    tpu.vector_store %arg3[%swap3A, %swap3A_31], %select_n3A_30 {strides = array<i32>} : memref<400x128xf32, #tpu.memory_space<vmem>>, vector<400x128xf32>,
    return
  }
  func.func @transform_0(%arg0: i32) -> (i32, i32, i32) {
    %c0_i32 = arith.constant 0 : i32
    %c0_i32_0 = arith.constant 0 : i32
    %c0_i32_1 = arith.constant 0 : i32
    return %c0_i32, %arg0, %c0_i32_0 : i32, i32, i32
  }
  func.func @transform_1(%arg0: i32) -> (i32, i32, i32) {
    %c0_i32 = arith.constant 0 : i32
    %c0_i32_0 = arith.constant 0 : i32
    %c0_i32_1 = arith.constant 0 : i32
    return %c0_i32, %arg0, %c0_i32_0 : i32, i32, i32
  }
  func.func @transform_2(%arg0: i32) -> (i32, i32) {
    %c0_i32 = arith.constant 0 : i32
    %c0_i32_0 = arith.constant 0 : i32
    return %arg0, %c0_i32 : i32, i32
  }
}

</mosaic_0001>

<sc_bundles>
// kernel: kernel.5.cloned.1.call-start
scs
__scs_entry_jumppad:
0x0: {  	(pc) =	sbr.rel $0x88, $3  }
0x1: {  	(tag) =	ssettag $0x0;
	lr =	simm.s32 $0x1  }
0x2: {  	[smem:$0x3F9C] =	sst lr;
	_ =	strace $0xD0000000  }
0x3: {  	_ = 	snop  }
0x4: {  	_ = 	snop  }
0x5: {  	_ = 	snop  }
0x6: {  	_ = 	snop  }
0x7: {  	_ = 	snop  }
__scs_overlays_trampoline_lowered:
0x8: {  	[smem:$0x3FAB] =	sst s0  }
0x9: {  	[smem:$0x3FAC] =	sst s1  }
0xa: {  	[smem:$0x3FAD] =	sst s2  }
0xb: {  	[smem:$0x3FAE] =	sst s3  }
0xc: {  	[smem:$0x3FAF] =	sst s4  }
0xd: {  	[smem:$0x3FB0] =	sst s5  }
0xe: {  	[smem:$0x3FB1] =	sst s6  }
0xf: {  	[smem:$0x3FB2] =	sst s7  }
0x10: {  	[smem:$0x3FB3] =	sst s8  }
0x11: {  	[smem:$0x3FB4] =	sst s9;
	s0 =	simm.s32 @!p0 $0x0  }
0x12: {  	s1 =	sld [smem:$0x3F9A];
	s0 =	simm.s32 @p0 $0x1  }
0x13: {  	[smem:$0x3FB5] =	sst s0;
	s0 =	simm.s32 @!p1 $0x0  }
0x14: {  	s2 =	sld [smem:$0x3F99];
	s0 =	simm.s32 @p1 $0x1  }
0x15: {  	[smem:$0x3FB6] =	sst s0;
	s0 =	simm.s32 @!p2 $0x0  }
0x16: {  	s3 =	sld [smem:$0x3FDB];
	s0 =	simm.s32 @p2 $0x1  }
0x17: {  	s4 =	simm.s32 $0x1BF5;
	[smem:$0x3FB8] =	sst s0  }
0x18: {  	s0 =	sld [smem:$0x3F9B];
	_ =	swait.ge [sflag:s4], $0x0  }
0x19: {  	s7 =	sld [smem:$0x3F9C]  }
0x1a: {  	s8 =	sadd.s32 $0xFFFFE003, lr  }
0x1b: {  	s9 =	sadd.s32 $0xFFFFFEF7, lr;
	s5 =	simm.s32 $0xFFFFFFFF;
	p2 =	slt.u32 s8, $0xFFFFF086  }
0x1c: {  	p1 =	slt.u32 s9, $0xF7A;
	s5 =	simm.s32 @!p2 $0x0  }
0x1d: {  	s5 =	simm.s32 @p1 $0x1;
	p0 =	seq.s32 s7, s2  }
0x1e: {  	s7 =	smul.u32 @!p0 $0xF7A, s2;
	p2 =	seq.s32 @!p0 s5, $0x0  }
0x1f: {  	s9 =	smul.u32 $0xF7A, s1;
	s8 =	simm.s32 @!p0 $0x1BF5;
	p2 =	por !p2, p0  }
0x20: {  	[sflag:s8] =	ssyncset.s32 @!p0 $0xFFFFF086;
	s6 =	sadd.s32 @!p0 s3, s7;
	s7 =	simm.s32 @!p0 $0x108  }
0x21: {  	s3 =	sadd.s32 s3, s9;
	s6 =	sadd.s32 @!p0 $0x88, s6;
	s7 =	simm.s32 @p2 $0x1082  }
0x22: {  	[simem:s7], [sflag:s8] =	dma.local @!p0 [hbm:s6], $0xF7A  }
0x23: {  	s9 =	sor.u32 $0xD0000000, s2;
	s6 =	simm.s32 $0x108;
	_ =	swait.ge @!p0 [sflag:s8], $0x0  }
0x24: {  	s3 =	sadd.s32 $0x88, s3;
	s6 =	simm.s32 @!p1 $0x1082;
	[sflag:s4] =	ssyncset.s32 $0xFFFFF086  }
0x25: {  	[simem:s6], [sflag:s4] =	dma.local [hbm:s3], $0xF7A  }
0x26: {  	[smem:$0x3F9C] =	sst s1;
	(tag) =	ssettag s2;
	_ =	strace s9  }
0x27: {  	s1 =	sld [smem:$0x3FAC]  }
0x28: {  	s2 =	sld [smem:$0x3FAD]  }
0x29: {  	s4 =	sld [smem:$0x3FAF]  }
0x2a: {  	p0 =	seq.s32 s5, $0x0;
	s5 =	sld [smem:$0x3FB0]  }
0x2b: {  	s6 =	sld [smem:$0x3FB1]  }
0x2c: {  	s7 =	sld [smem:$0x3FB2]  }
0x2d: {  	s3 =	simm.s32 $0x108;
	s8 =	sld [smem:$0x3FB3]  }
0x2e: {  	s3 =	simm.s32 @!p0 $0x1082;
	s9 =	sld [smem:$0x3FB4]  }
0x2f: {  	lr =	sadd.s32 s0, s3;
	s0 =	sld [smem:$0x3FAB]  }
0x30: {  	s3 =	sld [smem:$0x3FAE]  }
0x31: {  	[smem:$0x3FB7] =	sst s10  }
0x32: {  	s10 =	sld [smem:$0x3FB5];
	_ =	sdelay $0x3  }
0x33: {  	p0 =	seq.s32 s10, $0x1;
	s10 =	sld [smem:$0x3FB7];
	_ =	sdelay $0x3  }
0x34: {  	[smem:$0x3FB7] =	sst s10  }
0x35: {  	s10 =	sld [smem:$0x3FB6];
	_ =	sdelay $0x3  }
0x36: {  	p1 =	seq.s32 s10, $0x1;
	s10 =	sld [smem:$0x3FB7];
	_ =	sdelay $0x3  }
0x37: {  	[smem:$0x3FB7] =	sst s10  }
0x38: {  	s10 =	sld [smem:$0x3FB8]  }
0x39: {  	_ = 	snop;
	(pc) =	sbr.ind lr, $3  }
0x3a: {  	_ = 	snop  }
0x3b: {  	_ = 	snop  }
0x3c: {  	p2 =	seq.s32 s10, $0x1;
	s10 =	sld [smem:$0x3FB7]  }
0x3d: {  	_ =	shalt  }
0x3e: {  	_ =	shalt  }
0x3f: {  	_ =	shalt  }
0x40: {  	_ =	shalt  }
0x41: {  	_ =	shalt  }
0x42: {  	_ =	shalt  }
0x43: {  	_ =	shalt  }
0x44: {  	_ =	shalt  }
0x45: {  	_ =	shalt  }
0x46: {  	_ =	shalt  }
0x47: {  	_ =	shalt  }
0x48: {  	_ =	shalt  }
0x49: {  	_ =	shalt  }
0x4a: {  	_ =	shalt  }
0x4b: {  	_ =	shalt  }
0x4c: {  	_ =	shalt  }
0x4d: {  	_ =	shalt  }
0x4e: {  	_ =	shalt  }
0x4f: {  	_ =	shalt  }
0x50: {  	_ =	shalt  }
0x51: {  	_ =	shalt  }
0x52: {  	_ =	shalt  }
0x53: {  	_ =	shalt  }
0x54: {  	_ =	shalt  }
0x55: {  	_ =	shalt  }
0x56: {  	_ =	shalt  }
0x57: {  	_ =	shalt  }
0x58: {  	_ =	shalt  }
0x59: {  	_ =	shalt  }
0x5a: {  	_ =	shalt  }
0x5b: {  	_ =	shalt  }
0x5c: {  	_ =	shalt  }
0x5d: {  	_ =	shalt  }
0x5e: {  	_ =	shalt  }
0x5f: {  	_ =	shalt  }
0x60: {  	_ =	shalt  }
0x61: {  	_ =	shalt  }
0x62: {  	_ =	shalt  }
0x63: {  	_ =	shalt  }
0x64: {  	_ =	shalt  }
0x65: {  	_ =	shalt  }
0x66: {  	_ =	shalt  }
0x67: {  	_ =	shalt  }
0x68: {  	_ =	shalt  }
0x69: {  	_ =	shalt  }
0x6a: {  	_ =	shalt  }
0x6b: {  	_ =	shalt  }
0x6c: {  	_ =	shalt  }
0x6d: {  	_ =	shalt  }
0x6e: {  	_ =	shalt  }
0x6f: {  	_ =	shalt  }
0x70: {  	_ =	shalt  }
0x71: {  	_ =	shalt  }
0x72: {  	_ =	shalt  }
0x73: {  	_ =	shalt  }
0x74: {  	_ =	shalt  }
0x75: {  	_ =	shalt  }
0x76: {  	_ =	shalt  }
0x77: {  	_ =	shalt  }
0x78: {  	_ =	shalt  }
0x79: {  	_ =	shalt  }
0x7a: {  	_ =	shalt  }
0x7b: {  	_ =	shalt  }
0x7c: {  	_ =	shalt  }
0x7d: {  	_ =	shalt  }
0x7e: {  	_ =	shalt  }
0x7f: {  	_ =	shalt  }
0x80: {  	_ =	shalt  }
0x81: {  	_ =	shalt  }
0x82: {  	_ =	shalt  }
0x83: {  	_ =	shalt  }
0x84: {  	_ =	shalt  }
0x85: {  	_ =	shalt  }
0x86: {  	_ =	shalt  }
0x87: {  	_ =	shalt  }
.Lfunc_end0:
.L_simem_size_0:
called_computation_lowered:
.L_overlay_start_0:
0x88: {  	s2 =	sld [smem:$0x3FD9]  }
0x89: {  	s3 =	sld [smem:$0x3FFE];
	_ =	sdelay $0x1  }
0x8a: {  	s1 =	srdreg.scid  }
0x8b: {  	s0 =	sand.u32 $0x1, s1  }
0x8c: {  	s17 =	sshll.u32 s0, $0xA;
	s2 =	sadd.s32 s3, s2  }
0x8d: {  	s2 =	sadd.s32 s2, s17  }
0x8e: {  	[smem:$0x3FC3] =	sst s2  }
0x8f: {  	_ = 	snop  }
0x90: {  	s2 =	sld [smem:$0x3FD0];
	(tm) =	ssettm $0x1  }
0x91: {  	s18 =	sld [smem:$0x3FFB];
	_ =	sdelay $0x3  }
0x92: {  	_ =	strace s18  }
0x93: {  	s3 =	sld [smem:$0x3FFC];
	_ =	sdelay $0x3  }
0x94: {  	_ =	strace s3  }
0x95: {  	s3 =	sld [smem:$0x3FFD];
	_ =	sdelay $0x3  }
0x96: {  	_ =	strace s3  }
0x97: {  	_ =	strace $0x8FFFFFFF  }
0x98: {  	s19 =	sld [smem:$0x3FDB];
	_ =	sdelay $0x1  }
0x99: {  	s4 =	simm.s32 $_scs_section_size  }
0x9a: {  	s5 =	simm.s32 $_size__tile_overlayer_lowered;
	s6 =	simm.s32 $_tile_overlayer_lowered  }
0x9b: {  	s22 =	simm.s32 $0x1BFF;
	s21 =	sshll.u32 s6, $0x1;
	s3 =	sadd.s32 s4, s19  }
0x9c: {  	s7 =	simm.s32 $0x0;
	s20 =	sshll.u32 s5, $0x1;
	s5 =	sadd.s32 s21, s3  }
0x9d: {  	[timem:s7], [sflag:s22] =	dma.local [hbm:s5], s20  }
0x9e: {  	_ =	swait.ge [sflag:s22], s20  }
0x9f: {  	s4 =	ssub.s32 $0x0, s20;
	[sflag:s22] =	ssyncset.done $0x0  }
0xa0: {  	[sflag:s22] =	ssyncadd.s32 s4;
	_ =	sdelay $0x1  }
0xa1: {  	s23 =	simm.s32 $0x1B8B  }
0xa2: {  	_ =	swait.ge [sflag:s23], $0x1  }
0xa3: {  	[sflag:s23] =	ssyncset.done $0x0  }
0xa4: {  	s25 =	simm.s32 $0x1B8E;
	s24 =	sld [smem:$0x3FFE];
	[sflag:s23] =	ssyncadd.s32 $0xFFFFFFFF  }
0xa5: {  	s26 =	simm.s32 $execute0_lowered;
	[smem:$0x3FD2] =	sst s25  }
0xa6: {  	s5 =	sshll.u32 s26, $0x1;
	_ =	strace $0x80000046;
	[dreg:$0x1] =	wrdreg $0xFFFFFFFF  }
0xa7: {  	s28 =	simm.s32 $_size_execute0_lowered;
	s3 =	sadd.s32 s3, s5;
	[dreg:$0x0] =	wrdreg $0x0  }
0xa8: {  	s5 =	sshll.u32 s28, $0x1;
	[dreg:$0x2] =	wrdreg s3  }
0xa9: {  	[dreg:$0x3] =	wrdreg s5  }
0xaa: {  	[dreg:$0x4] =	wrdreg $0xC0  }
0xab: {  	_ =	task [dreg:s7], $0x5FFFF  }
0xac: {  	[dreg:$0x1] =	wrdreg $0xFFFFFFFF  }
0xad: {  	[dreg:$0x0] =	wrdreg $0x60  }
0xae: {  	[dreg:$0x2] =	wrdreg s2  }
0xaf: {  	[dreg:$0x3] =	wrdreg s24  }
0xb0: {  	[dreg:$0x4] =	wrdreg $0xA5800  }
0xb1: {  	[dreg:$0x5] =	wrdreg $0x1DE000  }
0xb2: {  	[dreg:$0x6] =	wrdreg $0x9  }
0xb3: {  	_ =	task.clear_ibuf [dreg:s7], $0x7FFFF;
	_ =	strace $0x90000046  }
0xb4: {  	s29 =	simm.s32 $0x9;
	_ =	strace $0x80000048  }
0xb5: {  	_ =	swait.ge [sflag:s29], $0x1  }
0xb6: {  	[sflag:s29] =	ssyncadd.s32 $0xFFFFFFFF  }
0xb7: {  	_ =	strace $0x90000048  }
0xb8: {  	_ =	sfence  }
0xb9: {  	s30 =	sld [smem:$0x0];
	_ =	sdelay $0x2  }
0xba: {  	s31 =	sshll.u32 s1, $0xD;
	s1 =	sshrl.u32 s1, $0x2  }
0xbb: {  	s3 =	sand.u32 $0x4000, s31;
	s1 =	sadd.s32 s1, s30  }
0xbc: {  	s0 =	sor.u32 s3, s0;
	s1 =	sshll.u32 s1, $0x11  }
0xbd: {  	s0 =	sor.u32 s1, s0  }
0xbe: {  	s0 =	sadd.s32 $0x8F2B, s0  }
0xbf: {  	[sflag:s0] =	ssyncadd.remote.s32 $0x1  }
0xc0: {  	_ =	sfence.sel $0xFFFF  }
0xc1: {  	[dreg:$0x0] =	wrdreg $0xFFFFFFFF;
	(pc) =	sbr.abs _section_cstart, $3  }
0xc2: {  	[dreg:$0x1] =	wrdreg $0xFFFFFFFF  }
0xc3: {  	_ =	task.clear_ibuf [dreg:s7], $0x2FFFF;
	_ =	strace $0x9FFFFFFF  }
0xc4: {  	(tm) =	ssettm $0x7FFFFFFF  }
0xc5: {  	_ =	shalt  }
tec
execute0_lowered:
.L_overlay_start_1:
0x0: {  	(tag) =	ssettag $0x1  }
0x1: {  	s1 =	rddreg [dreg:$0x0]  }
0x2: {  	s0 =	rddreg [dreg:$0x1]  }
0x3: {  	s2 =	rddreg [dreg:$0x2]  }
0x4: {  	s3 =	rddreg [dreg:$0x3]  }
0x5: {  	s4 =	simm.s32 $0x0;
	s12 =	srdreg.scid;
	s13 =	stileid.u32  }
0x6: {  	s28 =	simm.s32 $0x7900;
	s29 =	simm.s32 $0xA100;
	s31 =	simm.s32 $0xA200  }
0x7: {  	[smem:$0x7FF] =	sst s4;
	s5 =	sadd.s32 $0x14200, s0;
	s6 =	sadd.s32 $0x14800, s0  }
0x8: {  	s8 =	sadd.s32 $0x800, s0;
	s14 =	smul.u32 $0x500, s13;
	s9 =	sadd.s32 $0x15800, s0  }
0x9: {  	s20 =	smul.u32 $0x13C00, s13;
	_ =	strace $0x80000047;
	[dreg:$0x5] =	wrdreg s5  }
0xa: {  	p0 =	seq.s32 s13, $0xF;
	[dreg:$0x6] =	wrdreg s6;
	s5 =	sand.u32 $0x1, s12  }
0xb: {  	s12 =	smul.u32 $0x4F000, s13;
	s7 =	sshll.u32 s5, $0x4;
	s10 =	sshll.u32 s5, $0x7  }
0xc: {  	s15 =	ssub.s32 $0x2, s5;
	s5 =	smul.u32 $0x138800, s5;
	s7 =	sor.u32 s13, s7  }
0xd: {  	s6 =	sor.u32 s10, s14;
	s18 =	sshrl.u32 s12, $0x2;
	s12 =	smul.u32 $0xA00, s13  }
0xe: {  	s11 =	sshrl.u32 s15, $0x1;
	s7 =	smul.u32 $0x2710, s7;
	s18 =	sadd.s32 s18, s2  }
0xf: {  	s6 =	sshrl.u32 s6, $0x3;
	s22 =	sadd.s32 $0x2800, s18;
	[dreg:$0x9] =	wrdreg s18  }
0x10: {  	s10 =	sadd.s32 s20, s5;
	s23 =	sadd.s32 $0x5000, s18;
	[dreg:$0xc] =	wrdreg s22  }
0x11: {  	s5 =	sshrl.u32 s5, $0x3;
	s24 =	sadd.s32 $0x7800, s18;
	[dreg:$0xd] =	wrdreg s23  }
0x12: {  	s0 =	sadd.s32 s6, s0;
	s25 =	sadd.s32 $0xA000, s18;
	[dreg:$0xe] =	wrdreg s24  }
0x13: {  	s6 =	ssub.s32 s15, s11;
	s26 =	sadd.s32 $0xC800, s18;
	[dreg:$0xf] =	wrdreg s25  }
0x14: {  	s10 =	sshrl.u32 s10, $0x3;
	s13 =	sadd.s32 $0xF000, s18;
	[dreg:$0x10] =	wrdreg s26  }
0x15: {  	s5 =	sadd.s32 s9, s5;
	s14 =	sadd.s32 $0x11800, s18;
	[dreg:$0x14] =	wrdreg s13  }
0x16: {  	s15 =	sshrl.u32 s12, $0x2;
	s10 =	sadd.s32 s9, s10;
	[dreg:$0x15] =	wrdreg s14  }
0x17: {  	s12 =	simm.s32 $0x2780;
	s5 =	sadd.s32 $0x25080, s5;
	[dreg:$0x11] =	wrdreg s10  }
0x18: {  	s16 =	sshrl.u32 s7, $0x3;
	s0 =	sadd.s32 $0x14E00, s0;
	[dreg:$0x12] =	wrdreg s5  }
0x19: {  	s20 =	sadd.s32 $0xA0, s7;
	s22 =	sadd.s32 $0x132400, s2;
	[dreg:$0x13] =	wrdreg s0  }
0x1a: {  	s26 =	sadd.s32 $0x128400, s2;
	s23 =	smax.u32 s6, $0x1;
	[dreg:$0x1b] =	wrdreg s22  }
0x1b: {  	s30 =	sadd.s32 s15, s3;
	s24 =	sadd.s32 $0x134C00, s2;
	[dreg:$0x1c] =	wrdreg s23  }
0x1c: {  	s25 =	sadd.s32 $0x137400, s2;
	s13 =	simm.s32 $0x4F00;
	[dreg:$0x1d] =	wrdreg s24  }
0x1d: {  	s14 =	simm.s32 $0x5000;
	s15 =	simm.s32 $0x4F80;
	[dreg:$0x1e] =	wrdreg s25  }
0x1e: {  	s6 =	simm.s32 $0x6;
	s9 =	simm.s32 $0x0;
	[dreg:$0x16] =	wrdreg s26  }
0x1f: {  	s17 =	sadd.s32 s8, s16;
	s16 =	sadd.s32 $0x12AC00, s2;
	[dreg:$0x19] =	wrdreg s30  }
0x20: {  	s22 =	simm.s32 $0x50;
	s23 =	simm.s32 $0x5100;
	[dreg:$0x7] =	wrdreg s17  }
0x21: {  	s24 =	simm.s32 $0x4;
	s19 =	sadd.s32 $0x9C40, s17;
	[dreg:$0x17] =	wrdreg s16  }
0x22: {  	s25 =	simm.s32 $0x3;
	s21 =	sadd.s32 $0xA, s17;
	[dreg:$0x8] =	wrdreg s19  }
0x23: {  	s0 =	simm.s32 $0x5;
	s11 =	sadd.s32 $0x9C4A, s17;
	[dreg:$0xa] =	wrdreg s21  }
0x24: {  	s10 =	simm.s32 $0xA280;
	s17 =	sadd.s32 $0x12D400, s2;
	[dreg:$0xb] =	wrdreg s11  }
0x25: {  	s16 =	simm.s32 $0x5080;
	[dreg:$0x18] =	wrdreg s17;
	s19 =	sadd.s32 $0x12FC00, s2  }
0x26: {  	s21 =	sadd.s32 $0xF0, s7;
	s17 =	simm.s32 $0x8;
	[dreg:$0x1a] =	wrdreg s19  }
0x27: {  	v0 =	vimm.f32 $0.0e+00;
	s7 =	simm.s32 $0xA180;
	s19 =	simm.s32 $0x2;
	[dreg:$0x1f] =	wrdreg s21  }
.LBB2_1:
0x28: {  	[smem:$0x7FD] =	sst s9  }
0x29: {  	s5 =	rddreg [dreg:$0x5]  }
0x2a: {  	[tilespmem:s4], [sflag:$0x1] =	stream.linear.gather [hbm4b:s5+s4], $0x2780, $0x38;
	[tilespmem:$0x1E080] =	vst v63  }
0x2b: {  	s11 =	rddreg [dreg:$0x6]  }
0x2c: {  	[tilespmem:s12], [sflag:$0x1] =	stream.linear.gather [hbm4b:s11+s4], $0x2780, $0x38;
	[tilespmem:$0x1E080] =	vst v63  }
0x2d: {  	s9 =	rddreg [dreg:$0x7]  }
0x2e: {  	[tilespmem:s13], [sflag:$0x2] =	stream.linear.gather [hbm4b:s9+s4], $0x50, $0x38;
	[tilespmem:$0x1E080] =	vst v63  }
0x2f: {  	s11 =	rddreg [dreg:$0x8]  }
0x30: {  	[tilespmem:s14], [sflag:$0x2] =	stream.linear.gather [hbm4b:s11+s4], $0x50, $0x38;
	[tilespmem:$0x1E080] =	vst v63  }
0x31: {  	s9 =	rddreg [dreg:$0xa]  }
0x32: {  	[tilespmem:s15], [sflag:$0x3] =	stream.linear.gather [hbm4b:s9+s4], $0x50, $0x38;
	[tilespmem:$0x1E080] =	vst v63  }
0x33: {  	s11 =	rddreg [dreg:$0xb]  }
0x34: {  	[tilespmem:s16], [sflag:$0x3] =	stream.linear.gather [hbm4b:s11+s4], $0x50, $0x38;
	[tilespmem:$0x1E080] =	vst v63  }
0x35: {  	[tilespmem:$0xA300] =	vst v0  }
0x36: {  	[tilespmem:$0xA310] =	vst v0  }
0x37: {  	[tilespmem:$0xA320] =	vst v0  }
0x38: {  	[tilespmem:$0xA330] =	vst v0  }
0x39: {  	[tilespmem:$0xA340] =	vst v0  }
0x3a: {  	[tilespmem:$0xA350] =	vst v0  }
0x3b: {  	[tilespmem:$0xA360] =	vst v0  }
0x3c: {  	[tilespmem:$0xA370] =	vst v0  }
0x3d: {  	[tilespmem:$0xA380] =	vst v0  }
0x3e: {  	[tilespmem:$0xA390] =	vst v0  }
0x3f: {  	[tilespmem:$0xA3A0] =	vst v0  }
0x40: {  	[tilespmem:$0xA3B0] =	vst v0  }
0x41: {  	[tilespmem:$0xA3C0] =	vst v0  }
0x42: {  	[tilespmem:$0xA3D0] =	vst v0  }
0x43: {  	[tilespmem:$0xA3E0] =	vst v0  }
0x44: {  	[tilespmem:$0xA3F0] =	vst v0  }
0x45: {  	[tilespmem:$0xA400] =	vst v0  }
0x46: {  	[tilespmem:$0xA410] =	vst v0  }
0x47: {  	[tilespmem:$0xA420] =	vst v0  }
0x48: {  	[tilespmem:$0xA430] =	vst v0  }
0x49: {  	[tilespmem:$0xA440] =	vst v0  }
0x4a: {  	[tilespmem:$0xA450] =	vst v0  }
0x4b: {  	[tilespmem:$0xA460] =	vst v0  }
0x4c: {  	[tilespmem:$0xA470] =	vst v0  }
0x4d: {  	[tilespmem:$0xA480] =	vst v0  }
0x4e: {  	[tilespmem:$0xA490] =	vst v0  }
0x4f: {  	[tilespmem:$0xA4A0] =	vst v0  }
0x50: {  	[tilespmem:$0xA4B0] =	vst v0  }
0x51: {  	[tilespmem:$0xA4C0] =	vst v0  }
0x52: {  	[tilespmem:$0xA4D0] =	vst v0  }
0x53: {  	[tilespmem:$0xA4E0] =	vst v0  }
0x54: {  	[tilespmem:$0xA4F0] =	vst v0  }
0x55: {  	[tilespmem:$0xA500] =	vst v0  }
0x56: {  	[tilespmem:$0xA510] =	vst v0  }
0x57: {  	[tilespmem:$0xA520] =	vst v0  }
0x58: {  	[tilespmem:$0xA530] =	vst v0  }
0x59: {  	[tilespmem:$0xA540] =	vst v0  }
0x5a: {  	[tilespmem:$0xA550] =	vst v0  }
0x5b: {  	[tilespmem:$0xA560] =	vst v0  }
0x5c: {  	s5 =	simm.s32 $0x0;
	s11 =	simm.s32 $0x200;
	[tilespmem:$0xA570] =	vst v0  }
.LBB2_2:
0x5d: {  	p1 =	sne.s32 s11, $0x9E00;
	[tilespmem:s5+$0x5170] =	vst v0  }
0x5e: {  	[tilespmem:s5+$0x5100] =	vst v0  }
0x5f: {  	[tilespmem:s5+$0x5110] =	vst v0  }
.Ltmp0:
0x60: {  	[tilespmem:s5+$0x5120] =	vst v0;
	(pc) =	sbr.rel @p1 .LBB2_2-.Ltmp0, $4  }
0x61: {  	[tilespmem:s5+$0x5130] =	vst v0  }
0x62: {  	[tilespmem:s5+$0x5140] =	vst v0  }
0x63: {  	[tilespmem:s5+$0x5150] =	vst v0  }
0x64: {  	[tilespmem:s5+$0x5160] =	vst v0;
	s5 =	sshra.s32 s11, $0x2;
	s11 =	sadd.s32 $0x200, s11  }
0x65: {  	[tilespmem:s5+$0x5170] =	vst v0  }
0x66: {  	[tilespmem:s5+$0x5100] =	vst v0  }
0x67: {  	[tilespmem:s5+$0x5110] =	vst v0  }
0x68: {  	[tilespmem:s5+$0x5120] =	vst v0  }
0x69: {  	[tilespmem:s5+$0x5130] =	vst v0  }
0x6a: {  	[tilespmem:s5+$0x5140] =	vst v0  }
0x6b: {  	[tilespmem:s5+$0x5150] =	vst v0  }
0x6c: {  	[tilespmem:s5+$0x5160] =	vst v0;
	s5 =	simm.s32 @p0 $0x5100;
	s11 =	simm.s32 @p0 $0x8  }
0x6d: {  	[spmem:s26] =	stream.linear.scatter @p0 [tilespmem:s5], [sflag:$0x8], $0x2800, $0x38;
	[tilespmem:$0x1E080] =	vst v63  }
0x6e: {  	_ =	swait.ge @p0 [sflag:s11], $0x2800  }
0x6f: {  	[sflag:s11] =	ssyncset.done @p0 $0x0  }
0x70: {  	s9 =	rddreg [dreg:$0x17];
	[sflag:s11] =	ssyncadd.s32 @p0 $0xFFFFD800  }
0x71: {  	[spmem:s9] =	stream.linear.scatter @p0 [tilespmem:s5], [sflag:$0x8], $0x2800, $0x38;
	[tilespmem:$0x1E080] =	vst v63  }
0x72: {  	_ =	swait.ge @p0 [sflag:s11], $0x2800  }
0x73: {  	[sflag:s11] =	ssyncset.done @p0 $0x0  }
0x74: {  	s9 =	rddreg [dreg:$0x18];
	[sflag:s11] =	ssyncadd.s32 @p0 $0xFFFFD800  }
0x75: {  	[spmem:s9] =	stream.linear.scatter @p0 [tilespmem:s5], [sflag:$0x8], $0x2800, $0x38;
	[tilespmem:$0x1E080] =	vst v63  }
0x76: {  	_ =	swait.ge @p0 [sflag:s11], $0x2800  }
0x77: {  	[sflag:s11] =	ssyncset.done @p0 $0x0  }
0x78: {  	s9 =	rddreg [dreg:$0x1a];
	[sflag:s11] =	ssyncadd.s32 @p0 $0xFFFFD800  }
0x79: {  	[spmem:s9] =	stream.linear.scatter @p0 [tilespmem:s5], [sflag:$0x8], $0x2800, $0x38;
	[tilespmem:$0x1E080] =	vst v63  }
0x7a: {  	_ =	swait.ge @p0 [sflag:s11], $0x2800  }
0x7b: {  	[sflag:s11] =	ssyncset.done @p0 $0x0  }
0x7c: {  	s9 =	rddreg [dreg:$0x1b];
	[sflag:s11] =	ssyncadd.s32 @p0 $0xFFFFD800  }
0x7d: {  	[spmem:s9] =	stream.linear.scatter @p0 [tilespmem:s5], [sflag:$0x8], $0x2800, $0x38;
	[tilespmem:$0x1E080] =	vst v63  }
0x7e: {  	_ =	swait.ge @p0 [sflag:s11], $0x2800  }
0x7f: {  	[sflag:s11] =	ssyncset.done @p0 $0x0  }
0x80: {  	s9 =	rddreg [dreg:$0x1d];
	[sflag:s11] =	ssyncadd.s32 @p0 $0xFFFFD800  }
0x81: {  	[spmem:s9] =	stream.linear.scatter @p0 [tilespmem:s5], [sflag:$0x8], $0x2800, $0x38;
	[tilespmem:$0x1E080] =	vst v63  }
0x82: {  	_ =	swait.ge @p0 [sflag:s11], $0x2800  }
0x83: {  	[sflag:s11] =	ssyncset.done @p0 $0x0  }
0x84: {  	s9 =	rddreg [dreg:$0x1e];
	[sflag:s11] =	ssyncadd.s32 @p0 $0xFFFFD800  }
0x85: {  	[spmem:s9] =	stream.linear.scatter @p0 [tilespmem:s5], [sflag:$0x8], $0x1400, $0x38;
	[tilespmem:$0x1E080] =	vst v63  }
0x86: {  	_ =	swait.ge @p0 [sflag:s11], $0x1400  }
0x87: {  	[sflag:s11] =	ssyncset.done @p0 $0x0  }
0x88: {  	s5 =	simm.s32 @!p0 $0x5100;
	[sflag:s11] =	ssyncadd.s32 @p0 $0xFFFFEC00;
	s11 =	simm.s32 @!p0 $0x8  }
0x89: {  	[spmem:s18] =	stream.linear.scatter @!p0 [tilespmem:s5], [sflag:$0x8], $0x2800, $0x38;
	[tilespmem:$0x1E080] =	vst v63  }
0x8a: {  	_ =	swait.ge @!p0 [sflag:s11], $0x2800  }
0x8b: {  	[sflag:s11] =	ssyncset.done @!p0 $0x0  }
0x8c: {  	s9 =	rddreg [dreg:$0xc];
	[sflag:s11] =	ssyncadd.s32 @!p0 $0xFFFFD800  }
0x8d: {  	[spmem:s9] =	stream.linear.scatter @!p0 [tilespmem:s5], [sflag:$0x8], $0x2800, $0x38;
	[tilespmem:$0x1E080] =	vst v63  }
0x8e: {  	_ =	swait.ge @!p0 [sflag:s11], $0x2800  }
0x8f: {  	[sflag:s11] =	ssyncset.done @!p0 $0x0  }
0x90: {  	s9 =	rddreg [dreg:$0xd];
	[sflag:s11] =	ssyncadd.s32 @!p0 $0xFFFFD800  }
0x91: {  	[spmem:s9] =	stream.linear.scatter @!p0 [tilespmem:s5], [sflag:$0x8], $0x2800, $0x38;
	[tilespmem:$0x1E080] =	vst v63  }
0x92: {  	_ =	swait.ge @!p0 [sflag:s11], $0x2800  }
0x93: {  	[sflag:s11] =	ssyncset.done @!p0 $0x0  }
0x94: {  	s9 =	rddreg [dreg:$0xe];
	[sflag:s11] =	ssyncadd.s32 @!p0 $0xFFFFD800  }
0x95: {  	[spmem:s9] =	stream.linear.scatter @!p0 [tilespmem:s5], [sflag:$0x8], $0x2800, $0x38;
	[tilespmem:$0x1E080] =	vst v63  }
0x96: {  	_ =	swait.ge @!p0 [sflag:s11], $0x2800  }
0x97: {  	[sflag:s11] =	ssyncset.done @!p0 $0x0  }
0x98: {  	s9 =	rddreg [dreg:$0xf];
	[sflag:s11] =	ssyncadd.s32 @!p0 $0xFFFFD800  }
0x99: {  	[spmem:s9] =	stream.linear.scatter @!p0 [tilespmem:s5], [sflag:$0x8], $0x2800, $0x38;
	[tilespmem:$0x1E080] =	vst v63  }
0x9a: {  	_ =	swait.ge @!p0 [sflag:s11], $0x2800  }
0x9b: {  	[sflag:s11] =	ssyncset.done @!p0 $0x0  }
0x9c: {  	s9 =	rddreg [dreg:$0x10];
	[sflag:s11] =	ssyncadd.s32 @!p0 $0xFFFFD800  }
0x9d: {  	[spmem:s9] =	stream.linear.scatter @!p0 [tilespmem:s5], [sflag:$0x8], $0x2800, $0x38;
	[tilespmem:$0x1E080] =	vst v63  }
0x9e: {  	_ =	swait.ge @!p0 [sflag:s11], $0x2800  }
0x9f: {  	[sflag:s11] =	ssyncset.done @!p0 $0x0  }
0xa0: {  	s9 =	rddreg [dreg:$0x14];
	[sflag:s11] =	ssyncadd.s32 @!p0 $0xFFFFD800  }
0xa1: {  	[spmem:s9] =	stream.linear.scatter @!p0 [tilespmem:s5], [sflag:$0x8], $0x2800, $0x38;
	[tilespmem:$0x1E080] =	vst v63  }
0xa2: {  	_ =	swait.ge @!p0 [sflag:s11], $0x2800  }
0xa3: {  	[sflag:s11] =	ssyncset.done @!p0 $0x0  }
0xa4: {  	s9 =	rddreg [dreg:$0x15];
	[sflag:s11] =	ssyncadd.s32 @!p0 $0xFFFFD800  }
0xa5: {  	[spmem:s9] =	stream.linear.scatter @!p0 [tilespmem:s5], [sflag:$0x8], $0x2400, $0x38;
	[tilespmem:$0x1E080] =	vst v63  }
0xa6: {  	_ =	swait.ge @!p0 [sflag:s11], $0x2400  }
0xa7: {  	[sflag:s11] =	ssyncset.done @!p0 $0x0  }
0xa8: {  	s18 =	simm.s32 $0xA300;
	[sflag:s11] =	ssyncadd.s32 @!p0 $0xFFFFDC00  }
0xa9: {  	[spmem:s30] =	stream.linear.scatter [tilespmem:s18], [sflag:$0x8], $0x280, $0x38;
	[tilespmem:$0x1E080] =	vst v63  }
0xaa: {  	_ =	swait.ge [sflag:s17], $0x280  }
0xab: {  	[sflag:s17] =	ssyncset.done $0x0  }
0xac: {  	s26 =	simm.s32 $0x1;
	[sflag:s17] =	ssyncadd.s32 $0xFFFFFD80  }
0xad: {  	_ =	swait.ge [sflag:s26], $0x2780  }
0xae: {  	[sflag:s26] =	ssyncset.done $0x0  }
0xaf: {  	[sflag:s26] =	ssyncadd.s32 $0xFFFFD880  }
0xb0: {  	_ =	swait.ge [sflag:s26], $0x2780  }
0xb1: {  	[sflag:s26] =	ssyncset.done $0x0  }
0xb2: {  	[sflag:s26] =	ssyncadd.s32 $0xFFFFD880  }
0xb3: {  	_ =	swait.ge [sflag:s19], $0x50  }
0xb4: {  	[sflag:s19] =	ssyncset.done $0x0  }
0xb5: {  	[sflag:s19] =	ssyncadd.s32 $0xFFFFFFB0  }
0xb6: {  	_ =	swait.ge [sflag:s19], $0x50  }
0xb7: {  	[sflag:s19] =	ssyncset.done $0x0  }
0xb8: {  	[sflag:s19] =	ssyncadd.s32 $0xFFFFFFB0  }
0xb9: {  	[tilespmem:s23], [sflag:$0x4] =	stream.indirect.gather [hbm4b:s1+s22], $0x80, s13, s22, $0xb8;
	[tilespmem:$0x1E080] =	vst v63  }
0xba: {  	s30 =	simm.s32 $0x0;
	s26 =	simm.s32 $0x0;
	[bflag:$0x0] =	sbarrier.arrive $0xFFFF  }
.LBB2_4:
0xbb: {  	_ =	swait.ge [sflag:s24], $0x2800  }
0xbc: {  	p1 =	seq.s32 s30, $0x0;
	[sflag:s24] =	ssyncset.done $0x0  }
0xbd: {  	s5 =	simm.s32 @!p1 $0x7;
	[sflag:s24] =	ssyncadd.s32 $0xFFFFD800  }
0xbe: {  	_ =	swait.ge @!p1 [sflag:s5], $0x2800  }
0xbf: {  	[sflag:s5] =	ssyncset.done @!p1 $0x0  }
0xc0: {  	[sflag:s5] =	ssyncadd.s32 @!p1 $0xFFFFD800  }
0xc1: {  	_ =	swait.ge @!p1 [sflag:s5], $0x50  }
0xc2: {  	[sflag:s5] =	ssyncset.done @!p1 $0x0  }
0xc3: {  	[sflag:s5] =	ssyncadd.s32 @!p1 $0xFFFFFFB0  }
0xc4: {  	_ =	swait.ge [sflag:s25], $0x50  }
0xc5: {  	[sflag:s25] =	ssyncset.done $0x0  }
0xc6: {  	[sflag:s25] =	ssyncadd.s32 $0xFFFFFFB0  }
0xc7: {  	_ =	swait.ge [sflag:s25], $0x50  }
0xc8: {  	[sflag:s25] =	ssyncset.done $0x0  }
0xc9: {  	[sflag:s25] =	ssyncadd.s32 $0xFFFFFFB0  }
0xca: {  	[tilespmem:s28], [sflag:$0x5] =	stream.indirect.gather [hbm4b:s1+s22], $0x80, s15, s22, $0xb8;
	[tilespmem:$0x1E080] =	vst v63  }
0xcb: {  	v1 =	vld [tilespmem:$0x4F00]  }
0xcc: {  	v2 =	vld [tilespmem:$0x5000];
	_ =	sdelay $0x6  }
0xcd: {  	v1 =	vld.idx.msk [tilespmem:v1+s26+$0x0], $0xffff  }
0xce: {  	v3 =	vld.idx.msk [tilespmem:v2+s12+$0x0], $0xffff;
	_ =	sdelay $0x4  }
0xcf: {  	v1 =	vadd.f32 v3, v1;
	_ =	sdelay $0x1  }
0xd0: {  	v3 =	vmul.f32 $2.000000030e-01, v1  }
0xd1: {  	vm0 =	vgt.f32 v1, $0.0e+00  }
0xd2: {  	v1 =	vsel vm0, v1, v3  }
0xd3: {  	v1 =	vmul.f32 $1.442695020e+00, v1;
	_ =	sdelay $0x1  }
0xd4: {  	(erf) = vpow2.f32 v1;
	_ =	sdelay $0x2  }
0xd5: {  	v1 =	vld [tilespmem:$0x4F10]  }
0xd6: {  	v3 =	vld [tilespmem:$0x5010];
	_ =	sdelay $0x4  }
0xd7: {  	[tilespmem:$0xA200] =	vst v2;
	v4 =	vpop (erf)  }
0xd8: {  	[tilespmem:$0xA100] =	vst v4  }
0xd9: {  	v1 =	vld.idx.msk [tilespmem:v1+s26+$0x0], $0xffff  }
0xda: {  	v2 =	vld.idx.msk [tilespmem:v3+s12+$0x0], $0xffff;
	_ =	sdelay $0x4  }
0xdb: {  	v1 =	vadd.f32 v2, v1;
	_ =	sdelay $0x1  }
0xdc: {  	v2 =	vmul.f32 $2.000000030e-01, v1  }
0xdd: {  	vm12 =	vgt.f32 v1, $0.0e+00  }
0xde: {  	v1 =	vsel vm12, v1, v2  }
0xdf: {  	v1 =	vmul.f32 $1.442695020e+00, v1;
	_ =	sdelay $0x1  }
0xe0: {  	(erf) = vpow2.f32 v1;
	_ =	sdelay $0x2  }
0xe1: {  	v1 =	vld [tilespmem:$0x4F20]  }
0xe2: {  	v2 =	vld [tilespmem:$0x5020];
	_ =	sdelay $0x4  }
0xe3: {  	[tilespmem:$0xA210] =	vst v3;
	v4 =	vpop (erf)  }
0xe4: {  	[tilespmem:$0xA110] =	vst v4  }
0xe5: {  	v1 =	vld.idx.msk [tilespmem:v1+s26+$0x0], $0xffff  }
0xe6: {  	v3 =	vld.idx.msk [tilespmem:v2+s12+$0x0], $0xffff;
	_ =	sdelay $0x4  }
0xe7: {  	v1 =	vadd.f32 v3, v1;
	_ =	sdelay $0x1  }
0xe8: {  	v3 =	vmul.f32 $2.000000030e-01, v1  }
0xe9: {  	vm13 =	vgt.f32 v1, $0.0e+00  }
0xea: {  	v1 =	vsel vm13, v1, v3  }
0xeb: {  	v1 =	vmul.f32 $1.442695020e+00, v1;
	_ =	sdelay $0x1  }
0xec: {  	(erf) = vpow2.f32 v1;
	_ =	sdelay $0x2  }
0xed: {  	v1 =	vld [tilespmem:$0x4F30]  }
0xee: {  	v3 =	vld [tilespmem:$0x5030];
	_ =	sdelay $0x4  }
0xef: {  	[tilespmem:$0xA220] =	vst v2;
	v4 =	vpop (erf)  }
0xf0: {  	[tilespmem:$0xA120] =	vst v4  }
0xf1: {  	v1 =	vld.idx.msk [tilespmem:v1+s26+$0x0], $0xffff  }
0xf2: {  	v2 =	vld.idx.msk [tilespmem:v3+s12+$0x0], $0xffff;
	_ =	sdelay $0x4  }
0xf3: {  	v1 =	vadd.f32 v2, v1;
	_ =	sdelay $0x1  }
0xf4: {  	v2 =	vmul.f32 $2.000000030e-01, v1  }
0xf5: {  	vm14 =	vgt.f32 v1, $0.0e+00  }
0xf6: {  	v1 =	vsel vm14, v1, v2  }
0xf7: {  	v1 =	vmul.f32 $1.442695020e+00, v1;
	_ =	sdelay $0x1  }
0xf8: {  	(erf) = vpow2.f32 v1;
	_ =	sdelay $0x2  }
0xf9: {  	v1 =	vld [tilespmem:$0x4F40]  }
0xfa: {  	v2 =	vld [tilespmem:$0x5040];
	_ =	sdelay $0x4  }
0xfb: {  	[tilespmem:$0xA230] =	vst v3;
	v4 =	vpop (erf)  }
0xfc: {  	[tilespmem:$0xA130] =	vst v4  }
0xfd: {  	v1 =	vld.idx.msk [tilespmem:v1+s26+$0x0], $0xffff  }
0xfe: {  	v3 =	vld.idx.msk [tilespmem:v2+s12+$0x0], $0xffff;
	_ =	sdelay $0x4  }
0xff: {  	v1 =	vadd.f32 v3, v1;
	_ =	sdelay $0x1  }
0x100: {  	v3 =	vmul.f32 $2.000000030e-01, v1  }
0x101: {  	vm15 =	vgt.f32 v1, $0.0e+00  }
0x102: {  	v1 =	vsel vm15, v1, v3  }
0x103: {  	v1 =	vmul.f32 $1.442695020e+00, v1;
	_ =	sdelay $0x1  }
0x104: {  	(erf) = vpow2.f32 v1;
	_ =	sdelay $0x8  }
0x105: {  	v1 =	vpop (erf)  }
0x106: {  	[tilespmem:$0xA140] =	vst v1;
	v1 =	vmov s26  }
0x107: {  	s17 =	simm.s32 $0x5140;
	[tilespmem:$0xA240] =	vst v2  }
0x108: {  	v5 =	vld [tilespmem:s17+$0x30]  }
0x109: {  	v8 =	vld [tilespmem:s17+$0x10]  }
0x10a: {  	v6 =	vld [tilespmem:s17+$0xFFFFFFC0]  }
0x10b: {  	v2 =	vld.idx.msk [tilespmem:v1+s29+$0x0], $0xffff  }
0x10c: {  	v10 =	vld [tilespmem:s17+$0xFFFFFFE0]  }
0x10d: {  	v3 =	vld [tilespmem:s17+$0x20]  }
0x10e: {  	v4 =	vld [tilespmem:s17+$0xFFFFFFD0]  }
0x10f: {  	v1 =	vld [tilespmem:s17+$0xFFFFFFF0]  }
0x110: {  	v9 =	vmul.f32 v5, v2;
	v5 =	vld [tilespmem:s17+$0x0]  }
0x111: {  	v7 =	vmul.f32 v6, v2  }
0x112: {  	s11 =	simm.s32 $0x1;
	s5 =	simm.s32 $0x5140;
	v6 =	vmul.f32 v10, v2;
	v8 =	vmul.f32 v8, v2  }
.LBB2_5:
0x113: {  	p1 =	sne.s32 s11, $0x4F  }
0x114: {  	v4 =	vmul.f32 v4, v2;
	v3 =	vmul.f32 v3, v2;
	[tilespmem:s17+$0x30] =	vst v9;
	s5 =	sadd.s32 $0x80, s5;
	s18 =	smov.u32 s11;
	s11 =	sadd.s32 $0x1, s11  }
0x115: {  	[tilespmem:s17+$0xFFFFFFC0] =	vst v7;
	v7 =	vmul.f32 v1, v2;
	v2 =	vmul.f32 v5, v2  }
0x116: {  	[tilespmem:s17+$0x10] =	vst v8  }
0x117: {  	v5 =	vmov s18;
	[tilespmem:s17+$0xFFFFFFE0] =	vst v6  }
0x118: {  	v1 =	vld [tilespmem:s5+$0xFFFFFFF0];
	[tilespmem:s17+$0xFFFFFFF0] =	vst v7  }
0x119: {  	v6 =	vld [tilespmem:s5+$0x30];
	[tilespmem:s17+$0x0] =	vst v2  }
0x11a: {  	v8 =	vld [tilespmem:s5+$0x10];
	[tilespmem:s17+$0x20] =	vst v3  }
0x11b: {  	v7 =	vld [tilespmem:s5+$0xFFFFFFC0];
	[tilespmem:s17+$0xFFFFFFD0] =	vst v4;
	s17 =	smov.u32 s5  }
0x11c: {  	v2 =	vld.idx.msk [tilespmem:v5+s29+$0x0], $0xffff  }
0x11d: {  	v10 =	vld [tilespmem:s5+$0xFFFFFFE0]  }
0x11e: {  	v3 =	vld [tilespmem:s5+$0x20]  }
.Ltmp1:
0x11f: {  	v4 =	vld [tilespmem:s5+$0xFFFFFFD0];
	(pc) =	sbr.rel @p1 .LBB2_5-.Ltmp1, $3  }
0x120: {  	v5 =	vld [tilespmem:s5+$0x0];
	_ =	sdelay $0x1  }
0x121: {  	v7 =	vmul.f32 v7, v2;
	v9 =	vmul.f32 v6, v2  }
0x122: {  	v8 =	vmul.f32 v8, v2;
	v6 =	vmul.f32 v10, v2  }
0x123: {  	[tilespmem:s17+$0x30] =	vst v9  }
0x124: {  	[tilespmem:s17+$0xFFFFFFC0] =	vst v7  }
0x125: {  	v1 =	vmul.f32 v1, v2;
	[tilespmem:s17+$0x10] =	vst v8  }
0x126: {  	s11 =	smul.u32 $0xA0, s30;
	v3 =	vmul.f32 v3, v2;
	[tilespmem:s17+$0xFFFFFFE0] =	vst v6  }
0x127: {  	v5 =	vmul.f32 v5, v2;
	[tilespmem:s17+$0xFFFFFFF0] =	vst v1  }
0x128: {  	v1 =	vmul.f32 v4, v2;
	s5 =	sadd.s32 s11, s20;
	[tilespmem:s17+$0x20] =	vst v3  }
0x129: {  	[tilespmem:s17+$0x0] =	vst v5;
	s5 =	sshrl.u32 s5, $0x3  }
0x12a: {  	s18 =	simm.s32 $0x0;
	[tilespmem:s17+$0xFFFFFFD0] =	vst v1;
	s5 =	sadd.s32 s8, s5  }
0x12b: {  	[tilespmem:s13], [sflag:$0x2] =	stream.linear.gather [hbm4b:s5+s18], $0x50, $0x38;
	[tilespmem:$0x1E080] =	vst v63  }
0x12c: {  	s5 =	sadd.s32 $0x9C40, s5  }
0x12d: {  	[tilespmem:s14], [sflag:$0x2] =	stream.linear.gather [hbm4b:s5+s18], $0x50, $0x38;
	[tilespmem:$0x1E080] =	vst v63  }
0x12e: {  	_ = 	snop  }
0x12f: {  	[spmem:s2] =	stream.indirect.scatter.add.f32 [tilespmem:s23], [sflag:$0x6], $0x80, s31, s22, $0xb8;
	[tilespmem:$0x1E080] =	vst v63  }
0x130: {  	_ = 	snop  }
0x131: {  	[spmem:s3] =	stream.indirect.scatter.add.f32 [tilespmem:s29], [sflag:$0x6], $0x1, s31, s22, $0xb8;
	[tilespmem:$0x1E080] =	vst v63  }
0x132: {  	_ =	swait.ge [sflag:s0], $0x2800  }
0x133: {  	[sflag:s0] =	ssyncset.done $0x0  }
0x134: {  	[sflag:s0] =	ssyncadd.s32 $0xFFFFD800  }
0x135: {  	_ =	swait.ge [sflag:s6], $0x2800  }
0x136: {  	[sflag:s6] =	ssyncset.done $0x0  }
0x137: {  	[sflag:s6] =	ssyncadd.s32 $0xFFFFD800  }
0x138: {  	_ =	swait.ge [sflag:s6], $0x50  }
0x139: {  	[sflag:s6] =	ssyncset.done $0x0  }
0x13a: {  	[sflag:s6] =	ssyncadd.s32 $0xFFFFFFB0  }
0x13b: {  	_ =	swait.ge [sflag:s19], $0x50  }
0x13c: {  	[sflag:s19] =	ssyncset.done $0x0  }
0x13d: {  	[sflag:s19] =	ssyncadd.s32 $0xFFFFFFB0  }
0x13e: {  	_ =	swait.ge [sflag:s19], $0x50  }
0x13f: {  	[sflag:s19] =	ssyncset.done $0x0  }
0x140: {  	[sflag:s19] =	ssyncadd.s32 $0xFFFFFFB0  }
0x141: {  	[tilespmem:s23], [sflag:$0x4] =	stream.indirect.gather [hbm4b:s1+s22], $0x80, s13, s22, $0xb8;
	[tilespmem:$0x1E080] =	vst v63  }
0x142: {  	v1 =	vld [tilespmem:$0x4F80]  }
0x143: {  	v2 =	vld [tilespmem:$0x5080];
	_ =	sdelay $0x6  }
0x144: {  	v1 =	vld.idx.msk [tilespmem:v1+s18+$0x0], $0xffff  }
0x145: {  	v3 =	vld.idx.msk [tilespmem:v2+s12+$0x0], $0xffff;
	_ =	sdelay $0x4  }
0x146: {  	v1 =	vadd.f32 v3, v1;
	_ =	sdelay $0x1  }
0x147: {  	v3 =	vmul.f32 $2.000000030e-01, v1  }
0x148: {  	vm0 =	vgt.f32 v1, $0.0e+00  }
0x149: {  	v1 =	vsel vm0, v1, v3  }
0x14a: {  	v1 =	vmul.f32 $1.442695020e+00, v1;
	_ =	sdelay $0x1  }
0x14b: {  	(erf) = vpow2.f32 v1;
	_ =	sdelay $0x2  }
0x14c: {  	v1 =	vld [tilespmem:$0x4F90]  }
0x14d: {  	v3 =	vld [tilespmem:$0x5090];
	_ =	sdelay $0x4  }
0x14e: {  	[tilespmem:$0xA280] =	vst v2;
	v4 =	vpop (erf)  }
0x14f: {  	[tilespmem:$0xA180] =	vst v4  }
0x150: {  	v1 =	vld.idx.msk [tilespmem:v1+s18+$0x0], $0xffff  }
0x151: {  	v2 =	vld.idx.msk [tilespmem:v3+s12+$0x0], $0xffff;
	_ =	sdelay $0x4  }
0x152: {  	v1 =	vadd.f32 v2, v1;
	_ =	sdelay $0x1  }
0x153: {  	v2 =	vmul.f32 $2.000000030e-01, v1  }
0x154: {  	vm12 =	vgt.f32 v1, $0.0e+00  }
0x155: {  	v1 =	vsel vm12, v1, v2  }
0x156: {  	v1 =	vmul.f32 $1.442695020e+00, v1;
	_ =	sdelay $0x1  }
0x157: {  	(erf) = vpow2.f32 v1;
	_ =	sdelay $0x2  }
0x158: {  	v1 =	vld [tilespmem:$0x4FA0]  }
0x159: {  	v2 =	vld [tilespmem:$0x50A0];
	_ =	sdelay $0x4  }
0x15a: {  	[tilespmem:$0xA290] =	vst v3;
	v4 =	vpop (erf)  }
0x15b: {  	[tilespmem:$0xA190] =	vst v4  }
0x15c: {  	v1 =	vld.idx.msk [tilespmem:v1+s18+$0x0], $0xffff  }
0x15d: {  	v3 =	vld.idx.msk [tilespmem:v2+s12+$0x0], $0xffff;
	_ =	sdelay $0x4  }
0x15e: {  	v1 =	vadd.f32 v3, v1;
	_ =	sdelay $0x1  }
0x15f: {  	v3 =	vmul.f32 $2.000000030e-01, v1  }
0x160: {  	vm13 =	vgt.f32 v1, $0.0e+00  }
0x161: {  	v1 =	vsel vm13, v1, v3  }
0x162: {  	v1 =	vmul.f32 $1.442695020e+00, v1;
	_ =	sdelay $0x1  }
0x163: {  	(erf) = vpow2.f32 v1;
	_ =	sdelay $0x2  }
0x164: {  	v1 =	vld [tilespmem:$0x4FB0]  }
0x165: {  	v3 =	vld [tilespmem:$0x50B0];
	_ =	sdelay $0x4  }
0x166: {  	[tilespmem:$0xA2A0] =	vst v2;
	v4 =	vpop (erf)  }
0x167: {  	[tilespmem:$0xA1A0] =	vst v4  }
0x168: {  	v1 =	vld.idx.msk [tilespmem:v1+s18+$0x0], $0xffff  }
0x169: {  	v2 =	vld.idx.msk [tilespmem:v3+s12+$0x0], $0xffff;
	_ =	sdelay $0x4  }
0x16a: {  	v1 =	vadd.f32 v2, v1;
	_ =	sdelay $0x1  }
0x16b: {  	v2 =	vmul.f32 $2.000000030e-01, v1  }
0x16c: {  	vm14 =	vgt.f32 v1, $0.0e+00  }
0x16d: {  	v1 =	vsel vm14, v1, v2  }
0x16e: {  	v1 =	vmul.f32 $1.442695020e+00, v1;
	_ =	sdelay $0x1  }
0x16f: {  	(erf) = vpow2.f32 v1;
	_ =	sdelay $0x2  }
0x170: {  	v1 =	vld [tilespmem:$0x4FC0]  }
0x171: {  	v2 =	vld [tilespmem:$0x50C0];
	_ =	sdelay $0x4  }
0x172: {  	[tilespmem:$0xA2B0] =	vst v3;
	v4 =	vpop (erf)  }
0x173: {  	[tilespmem:$0xA1B0] =	vst v4  }
0x174: {  	v1 =	vld.idx.msk [tilespmem:v1+s18+$0x0], $0xffff  }
0x175: {  	v3 =	vld.idx.msk [tilespmem:v2+s12+$0x0], $0xffff;
	_ =	sdelay $0x4  }
0x176: {  	v1 =	vadd.f32 v3, v1;
	_ =	sdelay $0x1  }
0x177: {  	v3 =	vmul.f32 $2.000000030e-01, v1  }
0x178: {  	vm15 =	vgt.f32 v1, $0.0e+00  }
0x179: {  	v1 =	vsel vm15, v1, v3  }
0x17a: {  	v1 =	vmul.f32 $1.442695020e+00, v1;
	_ =	sdelay $0x1  }
0x17b: {  	(erf) = vpow2.f32 v1;
	_ =	sdelay $0x8  }
0x17c: {  	v1 =	vpop (erf)  }
0x17d: {  	[tilespmem:$0xA1C0] =	vst v1;
	v1 =	vmov s18  }
0x17e: {  	s17 =	simm.s32 $0x7940;
	[tilespmem:$0xA2C0] =	vst v2  }
0x17f: {  	v5 =	vld [tilespmem:s17+$0x30]  }
0x180: {  	v8 =	vld [tilespmem:s17+$0x10]  }
0x181: {  	v6 =	vld [tilespmem:s17+$0xFFFFFFC0]  }
0x182: {  	v2 =	vld.idx.msk [tilespmem:v1+s7+$0x0], $0xffff  }
0x183: {  	v10 =	vld [tilespmem:s17+$0xFFFFFFE0]  }
0x184: {  	v3 =	vld [tilespmem:s17+$0x20]  }
0x185: {  	v4 =	vld [tilespmem:s17+$0xFFFFFFD0]  }
0x186: {  	v1 =	vld [tilespmem:s17+$0xFFFFFFF0]  }
0x187: {  	v9 =	vmul.f32 v5, v2;
	v5 =	vld [tilespmem:s17+$0x0]  }
0x188: {  	v7 =	vmul.f32 v6, v2  }
0x189: {  	s5 =	simm.s32 $0x1;
	s18 =	simm.s32 $0x7940;
	v6 =	vmul.f32 v10, v2;
	v8 =	vmul.f32 v8, v2  }
.LBB2_7:
0x18a: {  	p1 =	sne.s32 s5, $0x4F  }
0x18b: {  	v4 =	vmul.f32 v4, v2;
	v3 =	vmul.f32 v3, v2;
	[tilespmem:s17+$0x30] =	vst v9;
	s18 =	sadd.s32 $0x80, s18;
	s9 =	smov.u32 s5;
	s5 =	sadd.s32 $0x1, s5  }
0x18c: {  	[tilespmem:s17+$0xFFFFFFC0] =	vst v7;
	v7 =	vmul.f32 v1, v2;
	v2 =	vmul.f32 v5, v2  }
0x18d: {  	[tilespmem:s17+$0x10] =	vst v8  }
0x18e: {  	v5 =	vmov s9;
	[tilespmem:s17+$0xFFFFFFE0] =	vst v6  }
0x18f: {  	v1 =	vld [tilespmem:s18+$0xFFFFFFF0];
	[tilespmem:s17+$0xFFFFFFF0] =	vst v7  }
0x190: {  	v6 =	vld [tilespmem:s18+$0x30];
	[tilespmem:s17+$0x0] =	vst v2  }
0x191: {  	v8 =	vld [tilespmem:s18+$0x10];
	[tilespmem:s17+$0x20] =	vst v3  }
0x192: {  	v7 =	vld [tilespmem:s18+$0xFFFFFFC0];
	[tilespmem:s17+$0xFFFFFFD0] =	vst v4;
	s17 =	smov.u32 s18  }
0x193: {  	v2 =	vld.idx.msk [tilespmem:v5+s7+$0x0], $0xffff  }
0x194: {  	v10 =	vld [tilespmem:s18+$0xFFFFFFE0]  }
0x195: {  	v3 =	vld [tilespmem:s18+$0x20]  }
.Ltmp2:
0x196: {  	v4 =	vld [tilespmem:s18+$0xFFFFFFD0];
	(pc) =	sbr.rel @p1 .LBB2_7-.Ltmp2, $3  }
0x197: {  	v5 =	vld [tilespmem:s18+$0x0];
	_ =	sdelay $0x1  }
0x198: {  	v7 =	vmul.f32 v7, v2;
	v9 =	vmul.f32 v6, v2  }
0x199: {  	v8 =	vmul.f32 v8, v2;
	v6 =	vmul.f32 v10, v2  }
0x19a: {  	[tilespmem:s17+$0x30] =	vst v9  }
0x19b: {  	[tilespmem:s17+$0xFFFFFFC0] =	vst v7  }
0x19c: {  	v1 =	vmul.f32 v1, v2;
	p1 =	sne.s32 s30, $0x3D;
	[tilespmem:s17+$0x10] =	vst v8  }
.Ltmp3:
0x19d: {  	v3 =	vmul.f32 v3, v2;
	[tilespmem:s17+$0xFFFFFFE0] =	vst v6;
	(pc) =	sbr.rel @!p1 .LBB2_9-.Ltmp3, $4  }
0x19e: {  	v5 =	vmul.f32 v5, v2;
	[tilespmem:s17+$0xFFFFFFF0] =	vst v1  }
0x19f: {  	v1 =	vmul.f32 v4, v2;
	[tilespmem:s17+$0x20] =	vst v3  }
0x1a0: {  	[tilespmem:s17+$0x0] =	vst v5  }
0x1a1: {  	[tilespmem:s17+$0xFFFFFFD0] =	vst v1  }
0x1a2: {  	s5 =	sadd.s32 s11, s21  }
0x1a3: {  	s5 =	sshrl.u32 s5, $0x3  }
0x1a4: {  	s30 =	sadd.s32 $0x1, s30;
	s5 =	sadd.s32 s8, s5  }
0x1a5: {  	[tilespmem:s15], [sflag:$0x3] =	stream.linear.gather [hbm4b:s5+s4], $0x50, $0x38;
	[tilespmem:$0x1E080] =	vst v63  }
0x1a6: {  	p1 =	sne.s32 s30, $0x3E;
	s5 =	sadd.s32 $0x9C40, s5  }
0x1a7: {  	[tilespmem:s16], [sflag:$0x3] =	stream.linear.gather [hbm4b:s5+s4], $0x50, $0x38;
	[tilespmem:$0x1E080] =	vst v63  }
.Ltmp4:
0x1a8: {  	_ = 	snop;
	(pc) =	sbr.rel @p1 .LBB2_4-.Ltmp4, $4  }
.Ltmp5:
0x1a9: {  	_ = 	snop;
	(pc) =	sbr.rel @!p1 .LBB2_11-.Ltmp5, $4  }
0x1aa: {  	[spmem:s2] =	stream.indirect.scatter.add.f32 [tilespmem:s28], [sflag:$0x7], $0x80, s10, s22, $0xb8;
	[tilespmem:$0x1E080] =	vst v63  }
0x1ab: {  	_ = 	snop  }
0x1ac: {  	[spmem:s3] =	stream.indirect.scatter.add.f32 [tilespmem:s7], [sflag:$0x7], $0x1, s10, s22, $0xb8;
	[tilespmem:$0x1E080] =	vst v63  }
0x1ad: {  	_ = 	snop  }
.LBB2_9:
0x1ae: {  	[spmem:s2] =	stream.indirect.scatter.add.f32 [tilespmem:s28], [sflag:$0x7], $0x80, s10, s22, $0xb8;
	[tilespmem:$0x1E080] =	vst v63  }
0x1af: {  	_ = 	snop  }
0x1b0: {  	[spmem:s3] =	stream.indirect.scatter.add.f32 [tilespmem:s7], [sflag:$0x7], $0x1, s10, s22, $0xb8;
	[tilespmem:$0x1E080] =	vst v63  }
.LBB2_11:
0x1b1: {  	_ =	swait.ge [sflag:s24], $0x2800  }
0x1b2: {  	[sflag:s24] =	ssyncset.done $0x0  }
0x1b3: {  	[sflag:s24] =	ssyncadd.s32 $0xFFFFD800  }
0x1b4: {  	v1 =	vld [tilespmem:$0x4F00]  }
0x1b5: {  	v2 =	vld [tilespmem:$0x5000];
	_ =	sdelay $0x5  }
0x1b6: {  	s11 =	simm.s32 $0x0  }
0x1b7: {  	v1 =	vld.idx.msk [tilespmem:v1+s11+$0x0], $0xffff  }
0x1b8: {  	v3 =	vld.idx.msk [tilespmem:v2+s12+$0x0], $0xffff;
	_ =	sdelay $0x4  }
0x1b9: {  	v1 =	vadd.f32 v3, v1;
	_ =	sdelay $0x1  }
0x1ba: {  	v3 =	vmul.f32 $2.000000030e-01, v1  }
0x1bb: {  	vm0 =	vgt.f32 v1, $0.0e+00  }
0x1bc: {  	v1 =	vsel vm0, v1, v3  }
0x1bd: {  	v1 =	vmul.f32 $1.442695020e+00, v1;
	_ =	sdelay $0x1  }
0x1be: {  	(erf) = vpow2.f32 v1;
	_ =	sdelay $0x2  }
0x1bf: {  	v1 =	vld [tilespmem:$0x4F10]  }
0x1c0: {  	v3 =	vld [tilespmem:$0x5010];
	_ =	sdelay $0x4  }
0x1c1: {  	[tilespmem:$0xA200] =	vst v2;
	v4 =	vpop (erf)  }
0x1c2: {  	[tilespmem:$0xA100] =	vst v4  }
0x1c3: {  	v1 =	vld.idx.msk [tilespmem:v1+s11+$0x0], $0xffff  }
0x1c4: {  	v2 =	vld.idx.msk [tilespmem:v3+s12+$0x0], $0xffff;
	_ =	sdelay $0x4  }
0x1c5: {  	v1 =	vadd.f32 v2, v1;
	_ =	sdelay $0x1  }
0x1c6: {  	v2 =	vmul.f32 $2.000000030e-01, v1  }
0x1c7: {  	vm12 =	vgt.f32 v1, $0.0e+00  }
0x1c8: {  	v1 =	vsel vm12, v1, v2  }
0x1c9: {  	v1 =	vmul.f32 $1.442695020e+00, v1;
	_ =	sdelay $0x1  }
0x1ca: {  	(erf) = vpow2.f32 v1;
	_ =	sdelay $0x2  }
0x1cb: {  	v1 =	vld [tilespmem:$0x4F20]  }
0x1cc: {  	v2 =	vld [tilespmem:$0x5020];
	_ =	sdelay $0x4  }
0x1cd: {  	[tilespmem:$0xA210] =	vst v3;
	v4 =	vpop (erf)  }
0x1ce: {  	[tilespmem:$0xA110] =	vst v4  }
0x1cf: {  	v1 =	vld.idx.msk [tilespmem:v1+s11+$0x0], $0xffff  }
0x1d0: {  	v3 =	vld.idx.msk [tilespmem:v2+s12+$0x0], $0xffff;
	_ =	sdelay $0x4  }
0x1d1: {  	v1 =	vadd.f32 v3, v1;
	_ =	sdelay $0x1  }
0x1d2: {  	v3 =	vmul.f32 $2.000000030e-01, v1  }
0x1d3: {  	vm13 =	vgt.f32 v1, $0.0e+00  }
0x1d4: {  	v1 =	vsel vm13, v1, v3  }
0x1d5: {  	v1 =	vmul.f32 $1.442695020e+00, v1;
	_ =	sdelay $0x1  }
0x1d6: {  	(erf) = vpow2.f32 v1;
	_ =	sdelay $0x2  }
0x1d7: {  	v1 =	vld [tilespmem:$0x4F30]  }
0x1d8: {  	v3 =	vld [tilespmem:$0x5030];
	_ =	sdelay $0x4  }
0x1d9: {  	[tilespmem:$0xA220] =	vst v2;
	v4 =	vpop (erf)  }
0x1da: {  	[tilespmem:$0xA120] =	vst v4  }
0x1db: {  	v1 =	vld.idx.msk [tilespmem:v1+s11+$0x0], $0xffff  }
0x1dc: {  	v2 =	vld.idx.msk [tilespmem:v3+s12+$0x0], $0xffff;
	_ =	sdelay $0x4  }
0x1dd: {  	v1 =	vadd.f32 v2, v1;
	_ =	sdelay $0x1  }
0x1de: {  	v2 =	vmul.f32 $2.000000030e-01, v1  }
0x1df: {  	vm14 =	vgt.f32 v1, $0.0e+00  }
0x1e0: {  	v1 =	vsel vm14, v1, v2  }
0x1e1: {  	v1 =	vmul.f32 $1.442695020e+00, v1;
	_ =	sdelay $0x1  }
0x1e2: {  	(erf) = vpow2.f32 v1;
	_ =	sdelay $0x2  }
0x1e3: {  	v1 =	vld [tilespmem:$0x4F40]  }
0x1e4: {  	v2 =	vld [tilespmem:$0x5040];
	_ =	sdelay $0x4  }
0x1e5: {  	[tilespmem:$0xA230] =	vst v3;
	v4 =	vpop (erf)  }
0x1e6: {  	[tilespmem:$0xA130] =	vst v4  }
0x1e7: {  	v1 =	vld.idx.msk [tilespmem:v1+s11+$0x0], $0xffff  }
0x1e8: {  	v3 =	vld.idx.msk [tilespmem:v2+s12+$0x0], $0xffff;
	_ =	sdelay $0x4  }
0x1e9: {  	v1 =	vadd.f32 v3, v1;
	_ =	sdelay $0x1  }
0x1ea: {  	v3 =	vmul.f32 $2.000000030e-01, v1  }
0x1eb: {  	vm15 =	vgt.f32 v1, $0.0e+00  }
0x1ec: {  	v1 =	vsel vm15, v1, v3  }
0x1ed: {  	v1 =	vmul.f32 $1.442695020e+00, v1;
	_ =	sdelay $0x1  }
0x1ee: {  	(erf) = vpow2.f32 v1;
	_ =	sdelay $0x8  }
0x1ef: {  	v1 =	vpop (erf)  }
0x1f0: {  	[tilespmem:$0xA140] =	vst v1;
	v1 =	vmov s11  }
0x1f1: {  	[tilespmem:$0xA240] =	vst v2;
	s11 =	simm.s32 $0x5140  }
0x1f2: {  	v5 =	vld [tilespmem:s11+$0x30]  }
0x1f3: {  	v8 =	vld [tilespmem:s11+$0x10]  }
0x1f4: {  	v6 =	vld [tilespmem:s11+$0xFFFFFFC0]  }
0x1f5: {  	v2 =	vld.idx.msk [tilespmem:v1+s29+$0x0], $0xffff  }
0x1f6: {  	v10 =	vld [tilespmem:s11+$0xFFFFFFE0]  }
0x1f7: {  	v3 =	vld [tilespmem:s11+$0x20]  }
0x1f8: {  	v4 =	vld [tilespmem:s11+$0xFFFFFFD0]  }
0x1f9: {  	v1 =	vld [tilespmem:s11+$0xFFFFFFF0]  }
0x1fa: {  	v9 =	vmul.f32 v5, v2;
	v5 =	vld [tilespmem:s11+$0x0]  }
0x1fb: {  	v7 =	vmul.f32 v6, v2  }
0x1fc: {  	s5 =	simm.s32 $0x1;
	s17 =	simm.s32 $0x5140;
	v6 =	vmul.f32 v10, v2;
	v8 =	vmul.f32 v8, v2  }
.LBB2_12:
0x1fd: {  	p1 =	sne.s32 s5, $0x4F  }
0x1fe: {  	v4 =	vmul.f32 v4, v2;
	v3 =	vmul.f32 v3, v2;
	[tilespmem:s11+$0x30] =	vst v9;
	s17 =	sadd.s32 $0x80, s17;
	s9 =	smov.u32 s5;
	s5 =	sadd.s32 $0x1, s5  }
0x1ff: {  	[tilespmem:s11+$0xFFFFFFC0] =	vst v7;
	v7 =	vmul.f32 v1, v2;
	v2 =	vmul.f32 v5, v2  }
0x200: {  	[tilespmem:s11+$0x10] =	vst v8  }
0x201: {  	v5 =	vmov s9;
	[tilespmem:s11+$0xFFFFFFE0] =	vst v6  }
0x202: {  	v1 =	vld [tilespmem:s17+$0xFFFFFFF0];
	[tilespmem:s11+$0xFFFFFFF0] =	vst v7  }
0x203: {  	v6 =	vld [tilespmem:s17+$0x30];
	[tilespmem:s11+$0x0] =	vst v2  }
0x204: {  	v8 =	vld [tilespmem:s17+$0x10];
	[tilespmem:s11+$0x20] =	vst v3  }
0x205: {  	v7 =	vld [tilespmem:s17+$0xFFFFFFC0];
	[tilespmem:s11+$0xFFFFFFD0] =	vst v4;
	s11 =	smov.u32 s17  }
0x206: {  	v2 =	vld.idx.msk [tilespmem:v5+s29+$0x0], $0xffff  }
0x207: {  	v10 =	vld [tilespmem:s17+$0xFFFFFFE0]  }
0x208: {  	v3 =	vld [tilespmem:s17+$0x20]  }
.Ltmp6:
0x209: {  	v4 =	vld [tilespmem:s17+$0xFFFFFFD0];
	(pc) =	sbr.rel @p1 .LBB2_12-.Ltmp6, $3  }
0x20a: {  	v5 =	vld [tilespmem:s17+$0x0];
	_ =	sdelay $0x1  }
0x20b: {  	v7 =	vmul.f32 v7, v2;
	v9 =	vmul.f32 v6, v2  }
0x20c: {  	v8 =	vmul.f32 v8, v2;
	v6 =	vmul.f32 v10, v2  }
0x20d: {  	[tilespmem:s11+$0x30] =	vst v9  }
0x20e: {  	[tilespmem:s11+$0xFFFFFFC0] =	vst v7  }
0x20f: {  	v1 =	vmul.f32 v1, v2;
	[tilespmem:s11+$0x10] =	vst v8  }
0x210: {  	v3 =	vmul.f32 v3, v2;
	[tilespmem:s11+$0xFFFFFFE0] =	vst v6  }
0x211: {  	v5 =	vmul.f32 v5, v2;
	[tilespmem:s11+$0xFFFFFFF0] =	vst v1  }
0x212: {  	v1 =	vmul.f32 v4, v2;
	[tilespmem:s11+$0x20] =	vst v3  }
0x213: {  	[tilespmem:s11+$0x0] =	vst v5  }
0x214: {  	s5 =	simm.s32 $0x7;
	[tilespmem:s11+$0xFFFFFFD0] =	vst v1  }
0x215: {  	_ =	swait.ge [sflag:s5], $0x2800  }
0x216: {  	[sflag:s5] =	ssyncset.done $0x0  }
0x217: {  	[sflag:s5] =	ssyncadd.s32 $0xFFFFD800  }
0x218: {  	_ =	swait.ge [sflag:s5], $0x50  }
0x219: {  	[sflag:s5] =	ssyncset.done $0x0  }
0x21a: {  	[sflag:s5] =	ssyncadd.s32 $0xFFFFFFB0  }
0x21b: {  	[spmem:s2] =	stream.indirect.scatter.add.f32 [tilespmem:s23], [sflag:$0x6], $0x80, s31, s22, $0xb8;
	[tilespmem:$0x1E080] =	vst v63  }
0x21c: {  	_ = 	snop  }
0x21d: {  	[spmem:s3] =	stream.indirect.scatter.add.f32 [tilespmem:s29], [sflag:$0x6], $0x1, s31, s22, $0xb8;
	[tilespmem:$0x1E080] =	vst v63  }
0x21e: {  	_ =	swait.ge [sflag:s6], $0x2800  }
0x21f: {  	[sflag:s6] =	ssyncset.done $0x0  }
0x220: {  	[sflag:s6] =	ssyncadd.s32 $0xFFFFD800  }
0x221: {  	_ =	swait.ge [sflag:s6], $0x50  }
0x222: {  	[sflag:s6] =	ssyncset.done $0x0  }
0x223: {  	[sflag:s6] =	ssyncadd.s32 $0xFFFFFFB0  }
0x224: {  	[bflag:$0x0] =	sbarrier.arrive $0xFFFF  }
0x225: {  	s26 =	rddreg [dreg:$0x16]  }
0x226: {  	s9 =	simm.s32 @p0 $0x1FC8;
	s11 =	rddreg [dreg:$0x12];
	s5 =	sshrl.u32 @p0 s26, $0x3  }
0x227: {  	[hbm:s11], [sflag:s9] =	dma.local @p0 [spmem:s5], $0x2080  }
0x228: {  	s5 =	simm.s32 @p0 $0x8  }
0x229: {  	_ =	swait.ge @p0 [sflag:s5], $0x2080  }
0x22a: {  	s17 =	stileid.u32;
	s18 =	rddreg [dreg:$0x9]  }
0x22b: {  	s9 =	sshll.u32 @!p0 s17, $0x6;
	[sflag:s5] =	ssyncset.done @p0 $0x0;
	s11 =	rddreg [dreg:$0x11]  }
0x22c: {  	[sflag:s5] =	ssyncadd.s32 @p0 $0xFFFFDF80;
	s5 =	sor.u32 @!p0 $0x1C08, s9;
	s9 =	sshrl.u32 @!p0 s18, $0x3  }
0x22d: {  	[hbm:s11], [sflag:s5] =	dma.local @!p0 [spmem:s9], $0x2780  }
0x22e: {  	s5 =	simm.s32 @!p0 $0x8  }
0x22f: {  	s16 =	simm.s32 $0x1;
	_ =	swait.ge @!p0 [sflag:s5], $0x2780  }
0x230: {  	s21 =	simm.s32 $0x10;
	[sflag:s5] =	ssyncset.done @!p0 $0x0;
	s30 =	rddreg [dreg:$0x19]  }
0x231: {  	s14 =	sshll.u32 s17, $0x6;
	s17 =	rddreg [dreg:$0x13];
	[sflag:s5] =	ssyncadd.s32 @!p0 $0xFFFFD880  }
0x232: {  	s5 =	sor.u32 $0x1C08, s14;
	s9 =	sshrl.u32 s30, $0x3;
	s14 =	simm.s32 $0x20  }
0x233: {  	[hbm:s17@s14], [sflag:s5] =	dma.strided [spmem:s9@s21], $0x50, s16, $0x10   }
0x234: {  	s17 =	simm.s32 $0x8  }
0x235: {  	_ =	swait.ge [sflag:s17], $0x50  }
0x236: {  	s16 =	sld [smem:$0x7FD];
	_ =	sdelay $0x2  }
0x237: {  	s21 =	rddreg [dreg:$0x1c];
	s9 =	sadd.s32 $0x1, s16  }
0x238: {  	p1 =	sne.s32 s9, s21  }
.Ltmp7:
0x239: {  	_ = 	snop;
	(pc) =	sbr.rel @p1 .LBB2_1-.Ltmp7, $3  }
0x23a: {  	_ =	sdelay $0x1  }
0x23b: {  	s11 =	stileid.u32;
	s14 =	simm.s32 $0x5000;
	[sflag:s17] =	ssyncset.done $0x0  }
0x23c: {  	[sflag:s17] =	ssyncadd.s32 $0xFFFFFFB0;
	s16 =	simm.s32 $0x5080;
	s21 =	rddreg [dreg:$0x1f]  }
0x23d: {  	_ =	sfence.sel $0x180000  }
0x23e: {  	[bflag:$0x0] =	sbarrier.arrive $0xFFFF  }
0x23f: {  	_ =	strace $0x90000047  }
0x240: {  	[bflag:$0x2] =	sbarrier.arrive $0xFFFF  }
0x241: {  	p0 =	sne.s32 s11, $0x0;
	s0 =	rddreg [dreg:$0x4]  }
0x242: {  	s0 =	sadd.s32 @!p0 $0x100000, s0  }
0x243: {  	[sflag:s0] =	ssyncadd.tile.s32 @!p0 $0x1;
	_ =	shalt  }
.Lfunc_end2:
_tile_overlayer_lowered:
.L_overlay_start_2:
0x244: {  	(tag) =	ssettag $0x2  }
0x245: {  	s0 =	rddreg [dreg:$0x0];
	s2 =	stileid.u32  }
0x246: {  	s1 =	rddreg [dreg:$0x1];
	p0 =	sne.s32 s2, $0x0  }
0x247: {  	s3 =	rddreg [dreg:$0x2];
	[bflag:$0x3] =	sbarrier.arrive $0xFFFF;
	s2 =	simm.s32 @!p0 $0x1C08  }
0x248: {  	[timem:s3], [sflag:s2] =	dma.local @!p0 [hbm:s0], s1  }
0x249: {  	s0 =	simm.s32 @!p0 $0x8  }
0x24a: {  	_ =	swait.ge @!p0 [sflag:s0], s1  }
0x24b: {  	s1 =	ssub.s32 @!p0 $0x0, s1;
	[sflag:s0] =	ssyncset.done @!p0 $0x0  }
0x24c: {  	[sflag:s0] =	ssyncadd.s32 @!p0 s1  }
0x24d: {  	[bflag:$0x3] =	sbarrier.arrive $0xFFFF  }
0x24e: {  	_ =	shalt  }

</sc_bundles>
